<compile_context>
chip_gen: v7x
topology: tpu7x:2x2x1
jax: 0.10.2.dev20260603
libtpu: 0.0.44.dev20260713+nightly
codegen_flags: <defaults>
</compile_context>

<pallas_src>
import functools

import jax
import jax.numpy as jnp
from jax import lax
from jax.experimental import pallas as pl
from jax.experimental.pallas import tpu as pltpu
from jax.experimental.pallas import tpu_sc as plsc

_BT = 512
_LOG_BT = 9
_NBPAD = 24


def _shift_cumsum(a, t):
    s = 1
    while s < t:
        pad = jnp.zeros((s, a.shape[1]), a.dtype)
        a = a + jnp.concatenate([pad, a[:-s, :]], axis=0)
        s *= 2
    return a


def _router_body(x_ref, g_ref, rl_ref, meta_ref, pw_ref, beact_ref, *, n_e, t):
    xb = x_ref[...]
    rl = jnp.dot(xb, g_ref[...].T, preferred_element_type=jnp.float32)
    rl_ref[...] = rl

    idx = lax.broadcasted_iota(jnp.int32, rl.shape, 1)
    m1 = jnp.max(rl, axis=-1, keepdims=True)
    i1 = jnp.min(jnp.where(rl == m1, idx, n_e), axis=-1, keepdims=True)
    rl2 = jnp.where(idx == i1, -jnp.inf, rl)
    m2 = jnp.max(rl2, axis=-1, keepdims=True)
    i2 = jnp.min(jnp.where(rl2 == m2, idx, n_e), axis=-1, keepdims=True)
    z = jnp.exp(m2 - m1)
    p1 = 1.0 / (1.0 + z)
    p2 = z / (1.0 + z)

    oh0 = (idx == i1).astype(jnp.int32)
    oh1 = (idx == i2).astype(jnp.int32)
    c0 = _shift_cumsum(oh0, t)
    c1 = _shift_cumsum(oh1, t)
    r0 = jnp.sum(oh0 * c0, axis=1, keepdims=True) - 1
    t0 = c0[t - 1 : t, :]
    r1 = (jnp.sum(oh1 * c1, axis=1, keepdims=True) - 1
          + jnp.sum(oh1 * t0, axis=1, keepdims=True))
    total = t0 + c1[t - 1 : t, :]
    padded = ((total + (_BT - 1)) >> _LOG_BT) << _LOG_BT
    lt = (lax.broadcasted_iota(jnp.int32, (n_e, n_e), 0)
          <= lax.broadcasted_iota(jnp.int32, (n_e, n_e), 1)).astype(jnp.float32)
    cum = jnp.dot(padded.astype(jnp.float32), lt,
                  preferred_element_type=jnp.float32).astype(jnp.int32)
    base = cum - padded
    pos0 = jnp.sum(oh0 * base, axis=1, keepdims=True) + r0
    pos1 = jnp.sum(oh1 * base, axis=1, keepdims=True) + r1

    zi = jnp.zeros((t, n_e - 2), jnp.int32)
    zf = jnp.zeros((t, n_e - 2), jnp.float32)
    meta_ref[...] = jnp.concatenate([pos0, pos1, zi], axis=1)
    pw_ref[...] = jnp.concatenate([p1, p2, zf], axis=1)

    bs = lax.broadcasted_iota(jnp.int32, (_NBPAD, n_e), 0) * _BT
    ge = (bs >= cum).astype(jnp.int32)
    be = jnp.minimum(jnp.sum(ge, axis=1, keepdims=True), n_e - 1)
    act = (bs[:, 0:1] < cum[0:1, n_e - 1 : n_e]).astype(jnp.int32)
    zb = jnp.zeros((_NBPAD, n_e - 2), jnp.int32)
    beact_ref[...] = jnp.concatenate([be, act, zb], axis=1)


def _ffn_body(be_ref, act_ref, xs_ref, w1_ref, w2_ref, w3_ref, y_ref):
    b = pl.program_id(0)

    @pl.when(act_ref[b] == 1)
    def _():
        xb = xs_ref[...]
        h1 = jnp.dot(xb, w1_ref[0].T, preferred_element_type=jnp.float32)
        h3 = jnp.dot(xb, w3_ref[0].T, preferred_element_type=jnp.float32)
        h = h1 * lax.logistic(h1) * h3
        y_ref[...] = jnp.dot(h, w2_ref[0].T, preferred_element_type=jnp.float32)


def _combine_body(y0_ref, y1_ref, pw_ref, out_ref):
    w0 = pw_ref[:, 0:1]
    w1 = pw_ref[:, 1:2]
    out_ref[...] = w0 * y0_ref[...] + w1 * y1_ref[...]


def kernel(x, gate_w, w1, w2, w3):
    B, L, D = x.shape
    E, F, _ = w1.shape
    T = B * L
    P = 2 * T + E * _BT
    NB = P // _BT
    xf = x.reshape(T, D)

    rl, meta, pw, beact = pl.pallas_call(
        functools.partial(_router_body, n_e=E, t=T),
        out_shape=[
            jax.ShapeDtypeStruct((T, E), jnp.float32),
            jax.ShapeDtypeStruct((T, E), jnp.int32),
            jax.ShapeDtypeStruct((T, E), jnp.float32),
            jax.ShapeDtypeStruct((_NBPAD, E), jnp.int32),
        ],
    )(xf, gate_w)
    pos0 = meta[:, 0]
    pos1 = meta[:, 1]
    be = beact[:, 0]
    act = beact[:, 1]

    mesh = plsc.VectorSubcoreMesh(core_axis_name="c", subcore_axis_name="s")
    n_sub = mesh.num_cores * mesh.num_subcores
    NT = T // n_sub

    @functools.partial(
        pl.kernel,
        out_type=jax.ShapeDtypeStruct((P, D), jnp.float32),
        mesh=mesh,
        scratch_types=[
            pltpu.VMEM((NT,), jnp.int32),
            pltpu.VMEM((NT, D), jnp.float32),
            pltpu.SemaphoreType.DMA,
        ],
    )
    def _scatter_k(x_hbm, p0_hbm, p1_hbm, xs_hbm, idx_v, rows_v, sem):
        wid = lax.axis_index("s") * mesh.num_cores + lax.axis_index("c")
        tb = wid * NT
        pltpu.sync_copy(x_hbm.at[pl.ds(tb, NT), :], rows_v)
        pltpu.sync_copy(p0_hbm.at[pl.ds(tb, NT)], idx_v)
        pltpu.async_copy(rows_v, xs_hbm.at[idx_v], sem).wait()
        pltpu.sync_copy(p1_hbm.at[pl.ds(tb, NT)], idx_v)
        pltpu.async_copy(rows_v, xs_hbm.at[idx_v], sem).wait()

    xs = _scatter_k(xf, pos0, pos1)

    y = pl.pallas_call(
        _ffn_body,
        grid_spec=pltpu.PrefetchScalarGridSpec(
            num_scalar_prefetch=2,
            grid=(NB,),
            in_specs=[
                pl.BlockSpec((_BT, D), lambda b, be_r, act_r: (b, 0)),
                pl.BlockSpec((1, F, D), lambda b, be_r, act_r: (be_r[b], 0, 0)),
                pl.BlockSpec((1, D, F), lambda b, be_r, act_r: (be_r[b], 0, 0)),
                pl.BlockSpec((1, F, D), lambda b, be_r, act_r: (be_r[b], 0, 0)),
            ],
            out_specs=pl.BlockSpec((_BT, D), lambda b, be_r, act_r: (b, 0)),
        ),
        out_shape=jax.ShapeDtypeStruct((P, D), jnp.float32),
        compiler_params=pltpu.CompilerParams(
            vmem_limit_bytes=100 * 1024 * 1024),
    )(be, act, xs, w1, w2, w3)

    @functools.partial(
        pl.kernel,
        out_type=(
            jax.ShapeDtypeStruct((T, D), jnp.float32),
            jax.ShapeDtypeStruct((T, D), jnp.float32),
        ),
        mesh=mesh,
        scratch_types=[
            pltpu.VMEM((NT,), jnp.int32),
            pltpu.VMEM((NT, D), jnp.float32),
            pltpu.SemaphoreType.DMA,
        ],
    )
    def _gather_k(y_hbm, p0_hbm, p1_hbm, y0_hbm, y1_hbm, idx_v, rows_v, sem):
        wid = lax.axis_index("s") * mesh.num_cores + lax.axis_index("c")
        tb = wid * NT
        pltpu.sync_copy(p0_hbm.at[pl.ds(tb, NT)], idx_v)
        pltpu.async_copy(y_hbm.at[idx_v], rows_v, sem).wait()
        pltpu.sync_copy(rows_v, y0_hbm.at[pl.ds(tb, NT), :])
        pltpu.sync_copy(p1_hbm.at[pl.ds(tb, NT)], idx_v)
        pltpu.async_copy(y_hbm.at[idx_v], rows_v, sem).wait()
        pltpu.sync_copy(rows_v, y1_hbm.at[pl.ds(tb, NT), :])

    y0g, y1g = _gather_k(y, pos0, pos1)

    BT2 = 256
    out = pl.pallas_call(
        _combine_body,
        grid=(T // BT2,),
        in_specs=[
            pl.BlockSpec((BT2, D), lambda b: (b, 0)),
            pl.BlockSpec((BT2, D), lambda b: (b, 0)),
            pl.BlockSpec((BT2, E), lambda b: (b, 0)),
        ],
        out_specs=pl.BlockSpec((BT2, D), lambda b: (b, 0)),
        out_shape=jax.ShapeDtypeStruct((T, D), jnp.float32),
    )(y0g, y1g, pw)

    return out.reshape(B, L, D), rl

# --- scband reference (transcript-rebuilt; emitter-appended) ---
"""Pipeline reference for scband-phi-mo-esparse-mo-e-89481348645454 (READ-ONLY COPY).

The authoritative reference and input builder live on the scoring server;
editing this copy changes nothing except your own understanding.
"""

import jax, jax.numpy as jnp
import numpy as np


def setup_inputs(seed: int = 0) -> dict:
    key = jax.random.key(seed)
    ks = jax.random.split(key, 5)
    D, F, E = 1024, 2048, 8
    x = jax.random.normal(ks[0], (1, 2048, D), dtype=jnp.float32)
    gate_w = jax.random.normal(ks[1], (E, D), dtype=jnp.float32) * 0.02
    w1 = jax.random.normal(ks[2], (E, F, D), dtype=jnp.float32) * 0.02
    w2 = jax.random.normal(ks[3], (E, D, F), dtype=jnp.float32) * 0.02
    w3 = jax.random.normal(ks[4], (E, F, D), dtype=jnp.float32) * 0.02
    return {"x": x, "gate_w": gate_w, "w1": w1, "w2": w2, "w3": w3}


def reference(x, gate_w, w1, w2, w3):
    B, L, D = x.shape
    E = gate_w.shape[0]
    top_k = 2
    x_flat = x.reshape(-1, D)
    router_logits = x_flat @ gate_w.T
    topk_weights, topk_indices = jax.lax.top_k(router_logits.astype(jnp.float32), top_k)
    topk_weights = jax.nn.softmax(topk_weights, axis=-1).astype(x.dtype)
    # combine weights per expert: [T, E]; zero for unselected experts (equivalent to
    # the torch masked per-expert loop, computed densely)
    combine = jnp.sum(topk_weights[:, :, None] * jax.nn.one_hot(topk_indices, E, dtype=x.dtype), axis=1)
    # SiLU-gated FFN for each expert: w2(silu(w1 x) * w3 x)
    h1 = jnp.einsum('td,efd->tef', x_flat, w1)
    h3 = jnp.einsum('td,efd->tef', x_flat, w3)
    h = jax.nn.silu(h1) * h3
    out_e = jnp.einsum('tef,edf->ted', h, w2)
    output = jnp.sum(combine[:, :, None] * out_e, axis=1)
    return output.reshape(B, L, D), router_logits

if __name__ == "__main__":
    import jax
    _d = setup_inputs()
    print(jax.jit(kernel)(*tuple(_d.values())))

</pallas_src>

<mosaic_0001>
#map = affine_map<(d0, d1) -> (0, 0)>
#map1 = affine_map<(d0, d1) -> (0)>
module attributes {stable_mosaic.version = 14 : i64} {
  func.func @_gather_k(%arg0: i32, %arg1: i32, %arg2: memref<8192x1024xf32, #tpu.memory_space<hbm>>, %arg3: memref<2048xi32, #tpu.memory_space<hbm>>, %arg4: memref<2048xi32, #tpu.memory_space<hbm>>, %arg5: memref<2048x1024xf32, #tpu.memory_space<hbm>>, %arg6: memref<2048x1024xf32, #tpu.memory_space<hbm>>, %arg7: memref<64xi32, #tpu.memory_space<vmem>>, %arg8: memref<64x1024xf32, #tpu.memory_space<vmem>>, %arg9: memref<!tpu.dma_semaphore, #tpu.memory_space<semaphore_mem>>) attributes {dimension_semantics = [#tpu.dimension_semantics<core_parallel>, #tpu.dimension_semantics<subcore_parallel>], iteration_bounds = array<i64: 2, 16>, scalar_prefetch = 0 : i64, scratch_operands = 3 : i64, tpu.core_type = #tpu.core_type<sc_vector_subcore>, window_params = [{transform_indices = #map}, {transform_indices = #map1}, {transform_indices = #map1}, {transform_indices = #map}, {transform_indices = #map}]} {
    %mul3A = arith.constant 2 : i32
    %mul3A_0 = arith.muli %arg1, %mul3A : i32
    %add3A = arith.addi %mul3A_0, %arg0 : i32
    %mul3A_1 = arith.constant 64 : i32
    %mul3A_2 = arith.muli %add3A, %mul3A_1 : i32
    "tpu.region"() ({
      %run_scoped3A = tpu.sem_alloc : memref<!tpu.dma_semaphore, #tpu.memory_space<semaphore_mem>>
      %dma_start3A_13 = tpu.memref_slice %arg3[%mul3A_2] : memref<2048xi32, #tpu.memory_space<hbm>> -> memref<64xi32, #tpu.memory_space<hbm>>
      %dma_start3A_14 = tpu.memref_slice %arg3[%mul3A_2] : memref<2048xi32, #tpu.memory_space<hbm>> -> memref<64xi32, #tpu.memory_space<hbm>>
      tpu.enqueue_dma source(%dma_start3A_14 : memref<64xi32, #tpu.memory_space<hbm>>) target(%arg7 : memref<64xi32, #tpu.memory_space<vmem>>) target_semaphore(%run_scoped3A : memref<!tpu.dma_semaphore, #tpu.memory_space<semaphore_mem>>)
      %dma_wait3A_15 = tpu.memref_slice %arg3[%mul3A_2] : memref<2048xi32, #tpu.memory_space<hbm>> -> memref<64xi32, #tpu.memory_space<hbm>>
      %dma_wait3A_16 = tpu.memref_slice %arg3[%mul3A_2] : memref<2048xi32, #tpu.memory_space<hbm>> -> memref<64xi32, #tpu.memory_space<hbm>>
      tpu.wait_dma2 semaphore(%run_scoped3A : memref<!tpu.dma_semaphore, #tpu.memory_space<semaphore_mem>>) src(%dma_wait3A_16 : memref<64xi32, #tpu.memory_space<hbm>>) dst(%arg7 : memref<64xi32, #tpu.memory_space<vmem>>)
      tpu.yield
    }) : () -> ()
    %dma_start3A = arith.constant 0 : i32
    %dma_start3A_3 = arith.constant 0 : i32
    %dma_start3A_4 = tpu.memref_slice %arg2[%dma_start3A, %dma_start3A_3] : memref<8192x1024xf32, #tpu.memory_space<hbm>> -> memref<8192x1024xf32, #tpu.memory_space<hbm>>
    tpu.enqueue_indirect_dma source(%dma_start3A_4 : memref<8192x1024xf32, #tpu.memory_space<hbm>>) target(%arg8 : memref<64x1024xf32, #tpu.memory_space<vmem>>) offsets(%arg7 : memref<64xi32, #tpu.memory_space<vmem>>) semaphore(%arg9 : memref<!tpu.dma_semaphore, #tpu.memory_space<semaphore_mem>>)
    %dma_wait3A = arith.constant 0 : i32
    %dma_wait3A_5 = arith.constant 0 : i32
    %dma_wait3A_6 = tpu.memref_slice %arg2[%dma_wait3A, %dma_wait3A_5] : memref<8192x1024xf32, #tpu.memory_space<hbm>> -> memref<8192x1024xf32, #tpu.memory_space<hbm>>
    tpu.wait_indirect_dma semaphore(%arg9 : memref<!tpu.dma_semaphore, #tpu.memory_space<semaphore_mem>>) src(%dma_wait3A_6 : memref<8192x1024xf32, #tpu.memory_space<hbm>>) dst(%arg8 : memref<64x1024xf32, #tpu.memory_space<vmem>>)
    "tpu.region"() ({
      %run_scoped3A = tpu.sem_alloc : memref<!tpu.dma_semaphore, #tpu.memory_space<semaphore_mem>>
      %dma_start3A_13 = arith.constant 0 : i32
      %dma_start3A_14 = tpu.memref_slice %arg5[%mul3A_2, %dma_start3A_13] : memref<2048x1024xf32, #tpu.memory_space<hbm>> -> memref<64x1024xf32, #tpu.memory_space<hbm>>
      %dma_start3A_15 = arith.constant 0 : i32
      %dma_start3A_16 = tpu.memref_slice %arg5[%mul3A_2, %dma_start3A_15] : memref<2048x1024xf32, #tpu.memory_space<hbm>> -> memref<64x1024xf32, #tpu.memory_space<hbm>>
      tpu.enqueue_dma source(%arg8 : memref<64x1024xf32, #tpu.memory_space<vmem>>) target(%dma_start3A_16 : memref<64x1024xf32, #tpu.memory_space<hbm>>) target_semaphore(%run_scoped3A : memref<!tpu.dma_semaphore, #tpu.memory_space<semaphore_mem>>)
      %dma_wait3A_17 = arith.constant 0 : i32
      %dma_wait3A_18 = tpu.memref_slice %arg5[%mul3A_2, %dma_wait3A_17] : memref<2048x1024xf32, #tpu.memory_space<hbm>> -> memref<64x1024xf32, #tpu.memory_space<hbm>>
      %dma_wait3A_19 = arith.constant 0 : i32
      %dma_wait3A_20 = tpu.memref_slice %arg5[%mul3A_2, %dma_wait3A_19] : memref<2048x1024xf32, #tpu.memory_space<hbm>> -> memref<64x1024xf32, #tpu.memory_space<hbm>>
      tpu.wait_dma2 semaphore(%run_scoped3A : memref<!tpu.dma_semaphore, #tpu.memory_space<semaphore_mem>>) src(%arg8 : memref<64x1024xf32, #tpu.memory_space<vmem>>) dst(%dma_wait3A_20 : memref<64x1024xf32, #tpu.memory_space<hbm>>)
      tpu.yield
    }) : () -> ()
    "tpu.region"() ({
      %run_scoped3A = tpu.sem_alloc : memref<!tpu.dma_semaphore, #tpu.memory_space<semaphore_mem>>
      %dma_start3A_13 = tpu.memref_slice %arg4[%mul3A_2] : memref<2048xi32, #tpu.memory_space<hbm>> -> memref<64xi32, #tpu.memory_space<hbm>>
      %dma_start3A_14 = tpu.memref_slice %arg4[%mul3A_2] : memref<2048xi32, #tpu.memory_space<hbm>> -> memref<64xi32, #tpu.memory_space<hbm>>
      tpu.enqueue_dma source(%dma_start3A_14 : memref<64xi32, #tpu.memory_space<hbm>>) target(%arg7 : memref<64xi32, #tpu.memory_space<vmem>>) target_semaphore(%run_scoped3A : memref<!tpu.dma_semaphore, #tpu.memory_space<semaphore_mem>>)
      %dma_wait3A_15 = tpu.memref_slice %arg4[%mul3A_2] : memref<2048xi32, #tpu.memory_space<hbm>> -> memref<64xi32, #tpu.memory_space<hbm>>
      %dma_wait3A_16 = tpu.memref_slice %arg4[%mul3A_2] : memref<2048xi32, #tpu.memory_space<hbm>> -> memref<64xi32, #tpu.memory_space<hbm>>
      tpu.wait_dma2 semaphore(%run_scoped3A : memref<!tpu.dma_semaphore, #tpu.memory_space<semaphore_mem>>) src(%dma_wait3A_16 : memref<64xi32, #tpu.memory_space<hbm>>) dst(%arg7 : memref<64xi32, #tpu.memory_space<vmem>>)
      tpu.yield
    }) : () -> ()
    %dma_start3A_7 = arith.constant 0 : i32
    %dma_start3A_8 = arith.constant 0 : i32
    %dma_start3A_9 = tpu.memref_slice %arg2[%dma_start3A_7, %dma_start3A_8] : memref<8192x1024xf32, #tpu.memory_space<hbm>> -> memref<8192x1024xf32, #tpu.memory_space<hbm>>
    tpu.enqueue_indirect_dma source(%dma_start3A_9 : memref<8192x1024xf32, #tpu.memory_space<hbm>>) target(%arg8 : memref<64x1024xf32, #tpu.memory_space<vmem>>) offsets(%arg7 : memref<64xi32, #tpu.memory_space<vmem>>) semaphore(%arg9 : memref<!tpu.dma_semaphore, #tpu.memory_space<semaphore_mem>>)
    %dma_wait3A_10 = arith.constant 0 : i32
    %dma_wait3A_11 = arith.constant 0 : i32
    %dma_wait3A_12 = tpu.memref_slice %arg2[%dma_wait3A_10, %dma_wait3A_11] : memref<8192x1024xf32, #tpu.memory_space<hbm>> -> memref<8192x1024xf32, #tpu.memory_space<hbm>>
    tpu.wait_indirect_dma semaphore(%arg9 : memref<!tpu.dma_semaphore, #tpu.memory_space<semaphore_mem>>) src(%dma_wait3A_12 : memref<8192x1024xf32, #tpu.memory_space<hbm>>) dst(%arg8 : memref<64x1024xf32, #tpu.memory_space<vmem>>)
    "tpu.region"() ({
      %run_scoped3A = tpu.sem_alloc : memref<!tpu.dma_semaphore, #tpu.memory_space<semaphore_mem>>
      %dma_start3A_13 = arith.constant 0 : i32
      %dma_start3A_14 = tpu.memref_slice %arg6[%mul3A_2, %dma_start3A_13] : memref<2048x1024xf32, #tpu.memory_space<hbm>> -> memref<64x1024xf32, #tpu.memory_space<hbm>>
      %dma_start3A_15 = arith.constant 0 : i32
      %dma_start3A_16 = tpu.memref_slice %arg6[%mul3A_2, %dma_start3A_15] : memref<2048x1024xf32, #tpu.memory_space<hbm>> -> memref<64x1024xf32, #tpu.memory_space<hbm>>
      tpu.enqueue_dma source(%arg8 : memref<64x1024xf32, #tpu.memory_space<vmem>>) target(%dma_start3A_16 : memref<64x1024xf32, #tpu.memory_space<hbm>>) target_semaphore(%run_scoped3A : memref<!tpu.dma_semaphore, #tpu.memory_space<semaphore_mem>>)
      %dma_wait3A_17 = arith.constant 0 : i32
      %dma_wait3A_18 = tpu.memref_slice %arg6[%mul3A_2, %dma_wait3A_17] : memref<2048x1024xf32, #tpu.memory_space<hbm>> -> memref<64x1024xf32, #tpu.memory_space<hbm>>
      %dma_wait3A_19 = arith.constant 0 : i32
      %dma_wait3A_20 = tpu.memref_slice %arg6[%mul3A_2, %dma_wait3A_19] : memref<2048x1024xf32, #tpu.memory_space<hbm>> -> memref<64x1024xf32, #tpu.memory_space<hbm>>
      tpu.wait_dma2 semaphore(%run_scoped3A : memref<!tpu.dma_semaphore, #tpu.memory_space<semaphore_mem>>) src(%arg8 : memref<64x1024xf32, #tpu.memory_space<vmem>>) dst(%dma_wait3A_20 : memref<64x1024xf32, #tpu.memory_space<hbm>>)
      tpu.yield
    }) : () -> ()
    return
  }
}

#map = affine_map<(d0, d1) -> (0, 0)>
#map1 = affine_map<(d0, d1) -> (0)>
module attributes {stable_mosaic.version = 14 : i64} {
  func.func @_scatter_k(%arg0: i32, %arg1: i32, %arg2: memref<2048x1024xf32, #tpu.memory_space<hbm>>, %arg3: memref<2048xi32, #tpu.memory_space<hbm>>, %arg4: memref<2048xi32, #tpu.memory_space<hbm>>, %arg5: memref<8192x1024xf32, #tpu.memory_space<hbm>>, %arg6: memref<64xi32, #tpu.memory_space<vmem>>, %arg7: memref<64x1024xf32, #tpu.memory_space<vmem>>, %arg8: memref<!tpu.dma_semaphore, #tpu.memory_space<semaphore_mem>>) attributes {dimension_semantics = [#tpu.dimension_semantics<core_parallel>, #tpu.dimension_semantics<subcore_parallel>], iteration_bounds = array<i64: 2, 16>, scalar_prefetch = 0 : i64, scratch_operands = 3 : i64, tpu.core_type = #tpu.core_type<sc_vector_subcore>, window_params = [{transform_indices = #map}, {transform_indices = #map1}, {transform_indices = #map1}, {transform_indices = #map}]} {
    %mul3A = arith.constant 2 : i32
    %mul3A_0 = arith.muli %arg1, %mul3A : i32
    %add3A = arith.addi %mul3A_0, %arg0 : i32
    %mul3A_1 = arith.constant 64 : i32
    %mul3A_2 = arith.muli %add3A, %mul3A_1 : i32
    "tpu.region"() ({
      %run_scoped3A = tpu.sem_alloc : memref<!tpu.dma_semaphore, #tpu.memory_space<semaphore_mem>>
      %dma_start3A_13 = arith.constant 0 : i32
      %dma_start3A_14 = tpu.memref_slice %arg2[%mul3A_2, %dma_start3A_13] : memref<2048x1024xf32, #tpu.memory_space<hbm>> -> memref<64x1024xf32, #tpu.memory_space<hbm>>
      %dma_start3A_15 = arith.constant 0 : i32
      %dma_start3A_16 = tpu.memref_slice %arg2[%mul3A_2, %dma_start3A_15] : memref<2048x1024xf32, #tpu.memory_space<hbm>> -> memref<64x1024xf32, #tpu.memory_space<hbm>>
      tpu.enqueue_dma source(%dma_start3A_16 : memref<64x1024xf32, #tpu.memory_space<hbm>>) target(%arg7 : memref<64x1024xf32, #tpu.memory_space<vmem>>) target_semaphore(%run_scoped3A : memref<!tpu.dma_semaphore, #tpu.memory_space<semaphore_mem>>)
      %dma_wait3A_17 = arith.constant 0 : i32
      %dma_wait3A_18 = tpu.memref_slice %arg2[%mul3A_2, %dma_wait3A_17] : memref<2048x1024xf32, #tpu.memory_space<hbm>> -> memref<64x1024xf32, #tpu.memory_space<hbm>>
      %dma_wait3A_19 = arith.constant 0 : i32
      %dma_wait3A_20 = tpu.memref_slice %arg2[%mul3A_2, %dma_wait3A_19] : memref<2048x1024xf32, #tpu.memory_space<hbm>> -> memref<64x1024xf32, #tpu.memory_space<hbm>>
      tpu.wait_dma2 semaphore(%run_scoped3A : memref<!tpu.dma_semaphore, #tpu.memory_space<semaphore_mem>>) src(%dma_wait3A_20 : memref<64x1024xf32, #tpu.memory_space<hbm>>) dst(%arg7 : memref<64x1024xf32, #tpu.memory_space<vmem>>)
      tpu.yield
    }) : () -> ()
    "tpu.region"() ({
      %run_scoped3A = tpu.sem_alloc : memref<!tpu.dma_semaphore, #tpu.memory_space<semaphore_mem>>
      %dma_start3A_13 = tpu.memref_slice %arg3[%mul3A_2] : memref<2048xi32, #tpu.memory_space<hbm>> -> memref<64xi32, #tpu.memory_space<hbm>>
      %dma_start3A_14 = tpu.memref_slice %arg3[%mul3A_2] : memref<2048xi32, #tpu.memory_space<hbm>> -> memref<64xi32, #tpu.memory_space<hbm>>
      tpu.enqueue_dma source(%dma_start3A_14 : memref<64xi32, #tpu.memory_space<hbm>>) target(%arg6 : memref<64xi32, #tpu.memory_space<vmem>>) target_semaphore(%run_scoped3A : memref<!tpu.dma_semaphore, #tpu.memory_space<semaphore_mem>>)
      %dma_wait3A_15 = tpu.memref_slice %arg3[%mul3A_2] : memref<2048xi32, #tpu.memory_space<hbm>> -> memref<64xi32, #tpu.memory_space<hbm>>
      %dma_wait3A_16 = tpu.memref_slice %arg3[%mul3A_2] : memref<2048xi32, #tpu.memory_space<hbm>> -> memref<64xi32, #tpu.memory_space<hbm>>
      tpu.wait_dma2 semaphore(%run_scoped3A : memref<!tpu.dma_semaphore, #tpu.memory_space<semaphore_mem>>) src(%dma_wait3A_16 : memref<64xi32, #tpu.memory_space<hbm>>) dst(%arg6 : memref<64xi32, #tpu.memory_space<vmem>>)
      tpu.yield
    }) : () -> ()
    %dma_start3A = arith.constant 0 : i32
    %dma_start3A_3 = arith.constant 0 : i32
    %dma_start3A_4 = tpu.memref_slice %arg5[%dma_start3A, %dma_start3A_3] : memref<8192x1024xf32, #tpu.memory_space<hbm>> -> memref<8192x1024xf32, #tpu.memory_space<hbm>>
    tpu.enqueue_indirect_dma source(%arg7 : memref<64x1024xf32, #tpu.memory_space<vmem>>) target(%dma_start3A_4 : memref<8192x1024xf32, #tpu.memory_space<hbm>>) offsets(%arg6 : memref<64xi32, #tpu.memory_space<vmem>>) semaphore(%arg8 : memref<!tpu.dma_semaphore, #tpu.memory_space<semaphore_mem>>)
    %dma_wait3A = arith.constant 0 : i32
    %dma_wait3A_5 = arith.constant 0 : i32
    %dma_wait3A_6 = tpu.memref_slice %arg5[%dma_wait3A, %dma_wait3A_5] : memref<8192x1024xf32, #tpu.memory_space<hbm>> -> memref<8192x1024xf32, #tpu.memory_space<hbm>>
    tpu.wait_indirect_dma semaphore(%arg8 : memref<!tpu.dma_semaphore, #tpu.memory_space<semaphore_mem>>) src(%arg7 : memref<64x1024xf32, #tpu.memory_space<vmem>>) dst(%dma_wait3A_6 : memref<8192x1024xf32, #tpu.memory_space<hbm>>)
    "tpu.region"() ({
      %run_scoped3A = tpu.sem_alloc : memref<!tpu.dma_semaphore, #tpu.memory_space<semaphore_mem>>
      %dma_start3A_13 = tpu.memref_slice %arg4[%mul3A_2] : memref<2048xi32, #tpu.memory_space<hbm>> -> memref<64xi32, #tpu.memory_space<hbm>>
      %dma_start3A_14 = tpu.memref_slice %arg4[%mul3A_2] : memref<2048xi32, #tpu.memory_space<hbm>> -> memref<64xi32, #tpu.memory_space<hbm>>
      tpu.enqueue_dma source(%dma_start3A_14 : memref<64xi32, #tpu.memory_space<hbm>>) target(%arg6 : memref<64xi32, #tpu.memory_space<vmem>>) target_semaphore(%run_scoped3A : memref<!tpu.dma_semaphore, #tpu.memory_space<semaphore_mem>>)
      %dma_wait3A_15 = tpu.memref_slice %arg4[%mul3A_2] : memref<2048xi32, #tpu.memory_space<hbm>> -> memref<64xi32, #tpu.memory_space<hbm>>
      %dma_wait3A_16 = tpu.memref_slice %arg4[%mul3A_2] : memref<2048xi32, #tpu.memory_space<hbm>> -> memref<64xi32, #tpu.memory_space<hbm>>
      tpu.wait_dma2 semaphore(%run_scoped3A : memref<!tpu.dma_semaphore, #tpu.memory_space<semaphore_mem>>) src(%dma_wait3A_16 : memref<64xi32, #tpu.memory_space<hbm>>) dst(%arg6 : memref<64xi32, #tpu.memory_space<vmem>>)
      tpu.yield
    }) : () -> ()
    %dma_start3A_7 = arith.constant 0 : i32
    %dma_start3A_8 = arith.constant 0 : i32
    %dma_start3A_9 = tpu.memref_slice %arg5[%dma_start3A_7, %dma_start3A_8] : memref<8192x1024xf32, #tpu.memory_space<hbm>> -> memref<8192x1024xf32, #tpu.memory_space<hbm>>
    tpu.enqueue_indirect_dma source(%arg7 : memref<64x1024xf32, #tpu.memory_space<vmem>>) target(%dma_start3A_9 : memref<8192x1024xf32, #tpu.memory_space<hbm>>) offsets(%arg6 : memref<64xi32, #tpu.memory_space<vmem>>) semaphore(%arg8 : memref<!tpu.dma_semaphore, #tpu.memory_space<semaphore_mem>>)
    %dma_wait3A_10 = arith.constant 0 : i32
    %dma_wait3A_11 = arith.constant 0 : i32
    %dma_wait3A_12 = tpu.memref_slice %arg5[%dma_wait3A_10, %dma_wait3A_11] : memref<8192x1024xf32, #tpu.memory_space<hbm>> -> memref<8192x1024xf32, #tpu.memory_space<hbm>>
    tpu.wait_indirect_dma semaphore(%arg8 : memref<!tpu.dma_semaphore, #tpu.memory_space<semaphore_mem>>) src(%arg7 : memref<64x1024xf32, #tpu.memory_space<vmem>>) dst(%dma_wait3A_12 : memref<8192x1024xf32, #tpu.memory_space<hbm>>)
    return
  }
}

module attributes {stable_mosaic.version = 14 : i64} {
  func.func @_router_body(%arg0: memref<2048x1024xf32, #tpu.memory_space<vmem>>, %arg1: memref<8x1024xf32, #tpu.memory_space<vmem>>, %arg2: memref<2048x8xf32, #tpu.memory_space<vmem>>, %arg3: memref<2048x8xi32, #tpu.memory_space<vmem>>, %arg4: memref<2048x8xf32, #tpu.memory_space<vmem>>, %arg5: memref<24x8xi32, #tpu.memory_space<vmem>>) attributes {dimension_semantics = [], scalar_prefetch = 0 : i64, scratch_operands = 0 : i64, tpu.core_type = #tpu.core_type<tc>} {
    %get3A = arith.constant 0 : index
    %get3A_0 = arith.constant 0 : index
    %get3A_1 = vector.load %arg0[%get3A, %get3A_0] : memref<2048x1024xf32, #tpu.memory_space<vmem>>, vector<2048x1024xf32>
    %get3A_2 = arith.constant 0 : index
    %get3A_3 = arith.constant 0 : index
    %get3A_4 = vector.load %arg1[%get3A_2, %get3A_3] : memref<8x1024xf32, #tpu.memory_space<vmem>>, vector<8x1024xf32>
    %transpose3A = tpu.transpose %get3A_4, [1, 0] : vector<8x1024xf32> -> vector<1024x8xf32>
    %dot_general3A = arith.constant dense<0.000000e+00> : vector<2048x8xf32>
    %dot_general3A_5 = tpu.matmul %get3A_1, %transpose3A, %dot_general3A {dimension_numbers = #tpu.dot_dimension_numbers<[1], [0], [0], [1], [0, 0, 1, 1], [], []>, transpose_lhs_hint = false} : vector<2048x1024xf32>, vector<1024x8xf32>, vector<2048x8xf32> -> vector<2048x8xf32>
    %swap3A = arith.constant 0 : index
    %swap3A_6 = arith.constant 0 : index
    %swap3A_7 = vector.load %arg2[%swap3A, %swap3A_6] : memref<2048x8xf32, #tpu.memory_space<vmem>>, vector<2048x8xf32>
    tpu.vector_store %arg2[%swap3A, %swap3A_6], %dot_general3A_5 {strides = array<i32>} : memref<2048x8xf32, #tpu.memory_space<vmem>>, vector<2048x8xf32>,
    %iota3A = tpu.iota {dimensions = array<i32: 1>} : vector<2048x8xi32>
    %reduce_max3A = arith.constant dense<0xFF800000> : vector<2048xf32>
    %reduce_max3A_8 = vector.multi_reduction <maximumf>, %dot_general3A_5, %reduce_max3A [1] : vector<2048x8xf32> to vector<2048xf32>
    %broadcast_in_dim3A = vector.shape_cast %reduce_max3A_8 : vector<2048xf32> to vector<2048x1xf32>
    %eq3A = vector.broadcast %broadcast_in_dim3A : vector<2048x1xf32> to vector<2048x8xf32>
    %eq3A_9 = arith.cmpf oeq, %dot_general3A_5, %eq3A : vector<2048x8xf32>
    %jit3A = arith.constant 8 : i32
    %broadcast_in_dim3A_10 = vector.broadcast %jit3A : i32 to vector<2048x8xi32>
    %select_n3A = arith.select %eq3A_9, %iota3A, %broadcast_in_dim3A_10 : vector<2048x8xi1>, vector<2048x8xi32>
    %reduce_min3A = arith.constant dense<2147483647> : vector<2048xi32>
    %reduce_min3A_11 = vector.multi_reduction <minsi>, %select_n3A, %reduce_min3A [1] : vector<2048x8xi32> to vector<2048xi32>
    %broadcast_in_dim3A_12 = vector.shape_cast %reduce_min3A_11 : vector<2048xi32> to vector<2048x1xi32>
    %eq3A_13 = vector.broadcast %broadcast_in_dim3A_12 : vector<2048x1xi32> to vector<2048x8xi32>
    %eq3A_14 = arith.cmpi eq, %iota3A, %eq3A_13 : vector<2048x8xi32>
    %jit3A_15 = arith.constant 0xFF800000 : f32
    %broadcast_in_dim3A_16 = vector.broadcast %jit3A_15 : f32 to vector<2048x8xf32>
    %select_n3A_17 = arith.select %eq3A_14, %broadcast_in_dim3A_16, %dot_general3A_5 : vector<2048x8xi1>, vector<2048x8xf32>
    %reduce_max3A_18 = arith.constant dense<0xFF800000> : vector<2048xf32>
    %reduce_max3A_19 = vector.multi_reduction <maximumf>, %select_n3A_17, %reduce_max3A_18 [1] : vector<2048x8xf32> to vector<2048xf32>
    %broadcast_in_dim3A_20 = vector.shape_cast %reduce_max3A_19 : vector<2048xf32> to vector<2048x1xf32>
    %eq3A_21 = vector.broadcast %broadcast_in_dim3A_20 : vector<2048x1xf32> to vector<2048x8xf32>
    %eq3A_22 = arith.cmpf oeq, %select_n3A_17, %eq3A_21 : vector<2048x8xf32>
    %jit3A_23 = arith.constant 8 : i32
    %broadcast_in_dim3A_24 = vector.broadcast %jit3A_23 : i32 to vector<2048x8xi32>
    %select_n3A_25 = arith.select %eq3A_22, %iota3A, %broadcast_in_dim3A_24 : vector<2048x8xi1>, vector<2048x8xi32>
    %reduce_min3A_26 = arith.constant dense<2147483647> : vector<2048xi32>
    %reduce_min3A_27 = vector.multi_reduction <minsi>, %select_n3A_25, %reduce_min3A_26 [1] : vector<2048x8xi32> to vector<2048xi32>
    %broadcast_in_dim3A_28 = vector.shape_cast %reduce_min3A_27 : vector<2048xi32> to vector<2048x1xi32>
    %sub3A = arith.subf %broadcast_in_dim3A_20, %broadcast_in_dim3A : vector<2048x1xf32>
    %exp3A = math.exp %sub3A : vector<2048x1xf32>
    %add3A = arith.constant 1.000000e+00 : f32
    %add3A_29 = vector.broadcast %add3A : f32 to vector<2048x1xf32>
    %add3A_30 = arith.addf %add3A_29, %exp3A : vector<2048x1xf32>
    %div3A = arith.constant 1.000000e+00 : f32
    %div3A_31 = vector.broadcast %div3A : f32 to vector<2048x1xf32>
    %div3A_32 = arith.divf %div3A_31, %add3A_30 : vector<2048x1xf32>
    %add3A_33 = arith.constant 1.000000e+00 : f32
    %add3A_34 = vector.broadcast %add3A_33 : f32 to vector<2048x1xf32>
    %add3A_35 = arith.addf %add3A_34, %exp3A : vector<2048x1xf32>
    %div3A_36 = arith.divf %exp3A, %add3A_35 : vector<2048x1xf32>
    %eq3A_37 = vector.broadcast %broadcast_in_dim3A_12 : vector<2048x1xi32> to vector<2048x8xi32>
    %eq3A_38 = arith.cmpi eq, %iota3A, %eq3A_37 : vector<2048x8xi32>
    %convert_element_type3A = arith.extui %eq3A_38 : vector<2048x8xi1> to vector<2048x8xi32>
    %eq3A_39 = vector.broadcast %broadcast_in_dim3A_28 : vector<2048x1xi32> to vector<2048x8xi32>
    %eq3A_40 = arith.cmpi eq, %iota3A, %eq3A_39 : vector<2048x8xi32>
    %convert_element_type3A_41 = arith.extui %eq3A_40 : vector<2048x8xi1> to vector<2048x8xi32>
    %broadcast_in_dim3A_42 = arith.constant 0 : i32
    %broadcast_in_dim3A_43 = vector.broadcast %broadcast_in_dim3A_42 : i32 to vector<1x8xi32>
    %slice3A = vector.extract_strided_slice %convert_element_type3A {offsets = [0, 0], sizes = [2047, 8], strides = [1, 1]} : vector<2048x8xi32> to vector<2047x8xi32>
    %concatenate3A = tpu.concatenate %broadcast_in_dim3A_43, %slice3A in 0 : vector<1x8xi32>, vector<2047x8xi32> -> vector<2048x8xi32>
    %add3A_44 = arith.addi %convert_element_type3A, %concatenate3A : vector<2048x8xi32>
    %broadcast_in_dim3A_45 = arith.constant 0 : i32
    %broadcast_in_dim3A_46 = vector.broadcast %broadcast_in_dim3A_45 : i32 to vector<2x8xi32>
    %slice3A_47 = vector.extract_strided_slice %add3A_44 {offsets = [0, 0], sizes = [2046, 8], strides = [1, 1]} : vector<2048x8xi32> to vector<2046x8xi32>
    %concatenate3A_48 = tpu.concatenate %broadcast_in_dim3A_46, %slice3A_47 in 0 : vector<2x8xi32>, vector<2046x8xi32> -> vector<2048x8xi32>
    %add3A_49 = arith.addi %add3A_44, %concatenate3A_48 : vector<2048x8xi32>
    %broadcast_in_dim3A_50 = arith.constant 0 : i32
    %broadcast_in_dim3A_51 = vector.broadcast %broadcast_in_dim3A_50 : i32 to vector<4x8xi32>
    %slice3A_52 = vector.extract_strided_slice %add3A_49 {offsets = [0, 0], sizes = [2044, 8], strides = [1, 1]} : vector<2048x8xi32> to vector<2044x8xi32>
    %concatenate3A_53 = tpu.concatenate %broadcast_in_dim3A_51, %slice3A_52 in 0 : vector<4x8xi32>, vector<2044x8xi32> -> vector<2048x8xi32>
    %add3A_54 = arith.addi %add3A_49, %concatenate3A_53 : vector<2048x8xi32>
    %broadcast_in_dim3A_55 = arith.constant 0 : i32
    %broadcast_in_dim3A_56 = vector.broadcast %broadcast_in_dim3A_55 : i32 to vector<8x8xi32>
    %slice3A_57 = vector.extract_strided_slice %add3A_54 {offsets = [0, 0], sizes = [2040, 8], strides = [1, 1]} : vector<2048x8xi32> to vector<2040x8xi32>
    %concatenate3A_58 = tpu.concatenate %broadcast_in_dim3A_56, %slice3A_57 in 0 : vector<8x8xi32>, vector<2040x8xi32> -> vector<2048x8xi32>
    %add3A_59 = arith.addi %add3A_54, %concatenate3A_58 : vector<2048x8xi32>
    %broadcast_in_dim3A_60 = arith.constant 0 : i32
    %broadcast_in_dim3A_61 = vector.broadcast %broadcast_in_dim3A_60 : i32 to vector<16x8xi32>
    %slice3A_62 = vector.extract_strided_slice %add3A_59 {offsets = [0, 0], sizes = [2032, 8], strides = [1, 1]} : vector<2048x8xi32> to vector<2032x8xi32>
    %concatenate3A_63 = tpu.concatenate %broadcast_in_dim3A_61, %slice3A_62 in 0 : vector<16x8xi32>, vector<2032x8xi32> -> vector<2048x8xi32>
    %add3A_64 = arith.addi %add3A_59, %concatenate3A_63 : vector<2048x8xi32>
    %broadcast_in_dim3A_65 = arith.constant 0 : i32
    %broadcast_in_dim3A_66 = vector.broadcast %broadcast_in_dim3A_65 : i32 to vector<32x8xi32>
    %slice3A_67 = vector.extract_strided_slice %add3A_64 {offsets = [0, 0], sizes = [2016, 8], strides = [1, 1]} : vector<2048x8xi32> to vector<2016x8xi32>
    %concatenate3A_68 = tpu.concatenate %broadcast_in_dim3A_66, %slice3A_67 in 0 : vector<32x8xi32>, vector<2016x8xi32> -> vector<2048x8xi32>
    %add3A_69 = arith.addi %add3A_64, %concatenate3A_68 : vector<2048x8xi32>
    %broadcast_in_dim3A_70 = arith.constant 0 : i32
    %broadcast_in_dim3A_71 = vector.broadcast %broadcast_in_dim3A_70 : i32 to vector<64x8xi32>
    %slice3A_72 = vector.extract_strided_slice %add3A_69 {offsets = [0, 0], sizes = [1984, 8], strides = [1, 1]} : vector<2048x8xi32> to vector<1984x8xi32>
    %concatenate3A_73 = tpu.concatenate %broadcast_in_dim3A_71, %slice3A_72 in 0 : vector<64x8xi32>, vector<1984x8xi32> -> vector<2048x8xi32>
    %add3A_74 = arith.addi %add3A_69, %concatenate3A_73 : vector<2048x8xi32>
    %broadcast_in_dim3A_75 = arith.constant 0 : i32
    %broadcast_in_dim3A_76 = vector.broadcast %broadcast_in_dim3A_75 : i32 to vector<128x8xi32>
    %slice3A_77 = vector.extract_strided_slice %add3A_74 {offsets = [0, 0], sizes = [1920, 8], strides = [1, 1]} : vector<2048x8xi32> to vector<1920x8xi32>
    %concatenate3A_78 = tpu.concatenate %broadcast_in_dim3A_76, %slice3A_77 in 0 : vector<128x8xi32>, vector<1920x8xi32> -> vector<2048x8xi32>
    %add3A_79 = arith.addi %add3A_74, %concatenate3A_78 : vector<2048x8xi32>
    %broadcast_in_dim3A_80 = arith.constant 0 : i32
    %broadcast_in_dim3A_81 = vector.broadcast %broadcast_in_dim3A_80 : i32 to vector<256x8xi32>
    %slice3A_82 = vector.extract_strided_slice %add3A_79 {offsets = [0, 0], sizes = [1792, 8], strides = [1, 1]} : vector<2048x8xi32> to vector<1792x8xi32>
    %concatenate3A_83 = tpu.concatenate %broadcast_in_dim3A_81, %slice3A_82 in 0 : vector<256x8xi32>, vector<1792x8xi32> -> vector<2048x8xi32>
    %add3A_84 = arith.addi %add3A_79, %concatenate3A_83 : vector<2048x8xi32>
    %broadcast_in_dim3A_85 = arith.constant 0 : i32
    %broadcast_in_dim3A_86 = vector.broadcast %broadcast_in_dim3A_85 : i32 to vector<512x8xi32>
    %slice3A_87 = vector.extract_strided_slice %add3A_84 {offsets = [0, 0], sizes = [1536, 8], strides = [1, 1]} : vector<2048x8xi32> to vector<1536x8xi32>
    %concatenate3A_88 = tpu.concatenate %broadcast_in_dim3A_86, %slice3A_87 in 0 : vector<512x8xi32>, vector<1536x8xi32> -> vector<2048x8xi32>
    %add3A_89 = arith.addi %add3A_84, %concatenate3A_88 : vector<2048x8xi32>
    %broadcast_in_dim3A_90 = arith.constant 0 : i32
    %broadcast_in_dim3A_91 = vector.broadcast %broadcast_in_dim3A_90 : i32 to vector<1024x8xi32>
    %slice3A_92 = vector.extract_strided_slice %add3A_89 {offsets = [0, 0], sizes = [1024, 8], strides = [1, 1]} : vector<2048x8xi32> to vector<1024x8xi32>
    %concatenate3A_93 = tpu.concatenate %broadcast_in_dim3A_91, %slice3A_92 in 0 : vector<1024x8xi32>, vector<1024x8xi32> -> vector<2048x8xi32>
    %add3A_94 = arith.addi %add3A_89, %concatenate3A_93 : vector<2048x8xi32>
    %broadcast_in_dim3A_95 = arith.constant 0 : i32
    %broadcast_in_dim3A_96 = vector.broadcast %broadcast_in_dim3A_95 : i32 to vector<1x8xi32>
    %slice3A_97 = vector.extract_strided_slice %convert_element_type3A_41 {offsets = [0, 0], sizes = [2047, 8], strides = [1, 1]} : vector<2048x8xi32> to vector<2047x8xi32>
    %concatenate3A_98 = tpu.concatenate %broadcast_in_dim3A_96, %slice3A_97 in 0 : vector<1x8xi32>, vector<2047x8xi32> -> vector<2048x8xi32>
    %add3A_99 = arith.addi %convert_element_type3A_41, %concatenate3A_98 : vector<2048x8xi32>
    %broadcast_in_dim3A_100 = arith.constant 0 : i32
    %broadcast_in_dim3A_101 = vector.broadcast %broadcast_in_dim3A_100 : i32 to vector<2x8xi32>
    %slice3A_102 = vector.extract_strided_slice %add3A_99 {offsets = [0, 0], sizes = [2046, 8], strides = [1, 1]} : vector<2048x8xi32> to vector<2046x8xi32>
    %concatenate3A_103 = tpu.concatenate %broadcast_in_dim3A_101, %slice3A_102 in 0 : vector<2x8xi32>, vector<2046x8xi32> -> vector<2048x8xi32>
    %add3A_104 = arith.addi %add3A_99, %concatenate3A_103 : vector<2048x8xi32>
    %broadcast_in_dim3A_105 = arith.constant 0 : i32
    %broadcast_in_dim3A_106 = vector.broadcast %broadcast_in_dim3A_105 : i32 to vector<4x8xi32>
    %slice3A_107 = vector.extract_strided_slice %add3A_104 {offsets = [0, 0], sizes = [2044, 8], strides = [1, 1]} : vector<2048x8xi32> to vector<2044x8xi32>
    %concatenate3A_108 = tpu.concatenate %broadcast_in_dim3A_106, %slice3A_107 in 0 : vector<4x8xi32>, vector<2044x8xi32> -> vector<2048x8xi32>
    %add3A_109 = arith.addi %add3A_104, %concatenate3A_108 : vector<2048x8xi32>
    %broadcast_in_dim3A_110 = arith.constant 0 : i32
    %broadcast_in_dim3A_111 = vector.broadcast %broadcast_in_dim3A_110 : i32 to vector<8x8xi32>
    %slice3A_112 = vector.extract_strided_slice %add3A_109 {offsets = [0, 0], sizes = [2040, 8], strides = [1, 1]} : vector<2048x8xi32> to vector<2040x8xi32>
    %concatenate3A_113 = tpu.concatenate %broadcast_in_dim3A_111, %slice3A_112 in 0 : vector<8x8xi32>, vector<2040x8xi32> -> vector<2048x8xi32>
    %add3A_114 = arith.addi %add3A_109, %concatenate3A_113 : vector<2048x8xi32>
    %broadcast_in_dim3A_115 = arith.constant 0 : i32
    %broadcast_in_dim3A_116 = vector.broadcast %broadcast_in_dim3A_115 : i32 to vector<16x8xi32>
    %slice3A_117 = vector.extract_strided_slice %add3A_114 {offsets = [0, 0], sizes = [2032, 8], strides = [1, 1]} : vector<2048x8xi32> to vector<2032x8xi32>
    %concatenate3A_118 = tpu.concatenate %broadcast_in_dim3A_116, %slice3A_117 in 0 : vector<16x8xi32>, vector<2032x8xi32> -> vector<2048x8xi32>
    %add3A_119 = arith.addi %add3A_114, %concatenate3A_118 : vector<2048x8xi32>
    %broadcast_in_dim3A_120 = arith.constant 0 : i32
    %broadcast_in_dim3A_121 = vector.broadcast %broadcast_in_dim3A_120 : i32 to vector<32x8xi32>
    %slice3A_122 = vector.extract_strided_slice %add3A_119 {offsets = [0, 0], sizes = [2016, 8], strides = [1, 1]} : vector<2048x8xi32> to vector<2016x8xi32>
    %concatenate3A_123 = tpu.concatenate %broadcast_in_dim3A_121, %slice3A_122 in 0 : vector<32x8xi32>, vector<2016x8xi32> -> vector<2048x8xi32>
    %add3A_124 = arith.addi %add3A_119, %concatenate3A_123 : vector<2048x8xi32>
    %broadcast_in_dim3A_125 = arith.constant 0 : i32
    %broadcast_in_dim3A_126 = vector.broadcast %broadcast_in_dim3A_125 : i32 to vector<64x8xi32>
    %slice3A_127 = vector.extract_strided_slice %add3A_124 {offsets = [0, 0], sizes = [1984, 8], strides = [1, 1]} : vector<2048x8xi32> to vector<1984x8xi32>
    %concatenate3A_128 = tpu.concatenate %broadcast_in_dim3A_126, %slice3A_127 in 0 : vector<64x8xi32>, vector<1984x8xi32> -> vector<2048x8xi32>
    %add3A_129 = arith.addi %add3A_124, %concatenate3A_128 : vector<2048x8xi32>
    %broadcast_in_dim3A_130 = arith.constant 0 : i32
    %broadcast_in_dim3A_131 = vector.broadcast %broadcast_in_dim3A_130 : i32 to vector<128x8xi32>
    %slice3A_132 = vector.extract_strided_slice %add3A_129 {offsets = [0, 0], sizes = [1920, 8], strides = [1, 1]} : vector<2048x8xi32> to vector<1920x8xi32>
    %concatenate3A_133 = tpu.concatenate %broadcast_in_dim3A_131, %slice3A_132 in 0 : vector<128x8xi32>, vector<1920x8xi32> -> vector<2048x8xi32>
    %add3A_134 = arith.addi %add3A_129, %concatenate3A_133 : vector<2048x8xi32>
    %broadcast_in_dim3A_135 = arith.constant 0 : i32
    %broadcast_in_dim3A_136 = vector.broadcast %broadcast_in_dim3A_135 : i32 to vector<256x8xi32>
    %slice3A_137 = vector.extract_strided_slice %add3A_134 {offsets = [0, 0], sizes = [1792, 8], strides = [1, 1]} : vector<2048x8xi32> to vector<1792x8xi32>
    %concatenate3A_138 = tpu.concatenate %broadcast_in_dim3A_136, %slice3A_137 in 0 : vector<256x8xi32>, vector<1792x8xi32> -> vector<2048x8xi32>
    %add3A_139 = arith.addi %add3A_134, %concatenate3A_138 : vector<2048x8xi32>
    %broadcast_in_dim3A_140 = arith.constant 0 : i32
    %broadcast_in_dim3A_141 = vector.broadcast %broadcast_in_dim3A_140 : i32 to vector<512x8xi32>
    %slice3A_142 = vector.extract_strided_slice %add3A_139 {offsets = [0, 0], sizes = [1536, 8], strides = [1, 1]} : vector<2048x8xi32> to vector<1536x8xi32>
    %concatenate3A_143 = tpu.concatenate %broadcast_in_dim3A_141, %slice3A_142 in 0 : vector<512x8xi32>, vector<1536x8xi32> -> vector<2048x8xi32>
    %add3A_144 = arith.addi %add3A_139, %concatenate3A_143 : vector<2048x8xi32>
    %broadcast_in_dim3A_145 = arith.constant 0 : i32
    %broadcast_in_dim3A_146 = vector.broadcast %broadcast_in_dim3A_145 : i32 to vector<1024x8xi32>
    %slice3A_147 = vector.extract_strided_slice %add3A_144 {offsets = [0, 0], sizes = [1024, 8], strides = [1, 1]} : vector<2048x8xi32> to vector<1024x8xi32>
    %concatenate3A_148 = tpu.concatenate %broadcast_in_dim3A_146, %slice3A_147 in 0 : vector<1024x8xi32>, vector<1024x8xi32> -> vector<2048x8xi32>
    %add3A_149 = arith.addi %add3A_144, %concatenate3A_148 : vector<2048x8xi32>
    %mul3A = arith.muli %convert_element_type3A, %add3A_94 : vector<2048x8xi32>
    %reduce_sum3A = arith.constant dense<0> : vector<2048xi32>
    %reduce_sum3A_150 = vector.multi_reduction <add>, %mul3A, %reduce_sum3A [1] : vector<2048x8xi32> to vector<2048xi32>
    %broadcast_in_dim3A_151 = vector.shape_cast %reduce_sum3A_150 : vector<2048xi32> to vector<2048x1xi32>
    %sub3A_152 = arith.constant 1 : i32
    %sub3A_153 = vector.broadcast %sub3A_152 : i32 to vector<2048x1xi32>
    %sub3A_154 = arith.subi %broadcast_in_dim3A_151, %sub3A_153 : vector<2048x1xi32>
    %slice3A_155 = vector.extract_strided_slice %add3A_94 {offsets = [2047, 0], sizes = [1, 8], strides = [1, 1]} : vector<2048x8xi32> to vector<1x8xi32>
    %mul3A_156 = arith.muli %convert_element_type3A_41, %add3A_149 : vector<2048x8xi32>
    %reduce_sum3A_157 = arith.constant dense<0> : vector<2048xi32>
    %reduce_sum3A_158 = vector.multi_reduction <add>, %mul3A_156, %reduce_sum3A_157 [1] : vector<2048x8xi32> to vector<2048xi32>
    %broadcast_in_dim3A_159 = vector.shape_cast %reduce_sum3A_158 : vector<2048xi32> to vector<2048x1xi32>
    %sub3A_160 = arith.constant 1 : i32
    %sub3A_161 = vector.broadcast %sub3A_160 : i32 to vector<2048x1xi32>
    %sub3A_162 = arith.subi %broadcast_in_dim3A_159, %sub3A_161 : vector<2048x1xi32>
    %mul3A_163 = vector.broadcast %slice3A_155 : vector<1x8xi32> to vector<2048x8xi32>
    %mul3A_164 = arith.muli %convert_element_type3A_41, %mul3A_163 : vector<2048x8xi32>
    %reduce_sum3A_165 = arith.constant dense<0> : vector<2048xi32>
    %reduce_sum3A_166 = vector.multi_reduction <add>, %mul3A_164, %reduce_sum3A_165 [1] : vector<2048x8xi32> to vector<2048xi32>
    %broadcast_in_dim3A_167 = vector.shape_cast %reduce_sum3A_166 : vector<2048xi32> to vector<2048x1xi32>
    %add3A_168 = arith.addi %sub3A_162, %broadcast_in_dim3A_167 : vector<2048x1xi32>
    %slice3A_169 = vector.extract_strided_slice %add3A_149 {offsets = [2047, 0], sizes = [1, 8], strides = [1, 1]} : vector<2048x8xi32> to vector<1x8xi32>
    %add3A_170 = arith.addi %slice3A_155, %slice3A_169 : vector<1x8xi32>
    %add3A_171 = arith.constant 511 : i32
    %add3A_172 = vector.broadcast %add3A_171 : i32 to vector<1x8xi32>
    %add3A_173 = arith.addi %add3A_170, %add3A_172 : vector<1x8xi32>
    %shift_right_arithmetic3A = arith.constant 9 : i32
    %shift_right_arithmetic3A_174 = vector.broadcast %shift_right_arithmetic3A : i32 to vector<1x8xi32>
    %shift_right_arithmetic3A_175 = arith.shrsi %add3A_173, %shift_right_arithmetic3A_174 : vector<1x8xi32>
    %shift_left3A = arith.constant 9 : i32
    %shift_left3A_176 = vector.broadcast %shift_left3A : i32 to vector<1x8xi32>
    %shift_left3A_177 = arith.shli %shift_right_arithmetic3A_175, %shift_left3A_176 : vector<1x8xi32>
    %iota3A_178 = tpu.iota {dimensions = array<i32: 0>} : vector<8x8xi32>
    %iota3A_179 = tpu.iota {dimensions = array<i32: 1>} : vector<8x8xi32>
    %le3A = arith.cmpi sle, %iota3A_178, %iota3A_179 : vector<8x8xi32>
    %convert_element_type3A_180 = arith.extui %le3A : vector<8x8xi1> to vector<8x8xi32>
    %convert_element_type3A_181 = arith.sitofp %convert_element_type3A_180 : vector<8x8xi32> to vector<8x8xf32>
    %convert_element_type3A_182 = arith.sitofp %shift_left3A_177 : vector<1x8xi32> to vector<1x8xf32>
    %dot_general3A_183 = arith.constant dense<0.000000e+00> : vector<1x8xf32>
    %dot_general3A_184 = tpu.matmul %convert_element_type3A_182, %convert_element_type3A_181, %dot_general3A_183 {dimension_numbers = #tpu.dot_dimension_numbers<[1], [0], [0], [1], [0, 0, 1, 1], [], []>, transpose_lhs_hint = false} : vector<1x8xf32>, vector<8x8xf32>, vector<1x8xf32> -> vector<1x8xf32>
    %convert_element_type3A_185 = arith.fptosi %dot_general3A_184 : vector<1x8xf32> to vector<1x8xi32>
    %sub3A_186 = arith.subi %convert_element_type3A_185, %shift_left3A_177 : vector<1x8xi32>
    %mul3A_187 = vector.broadcast %sub3A_186 : vector<1x8xi32> to vector<2048x8xi32>
    %mul3A_188 = arith.muli %convert_element_type3A, %mul3A_187 : vector<2048x8xi32>
    %reduce_sum3A_189 = arith.constant dense<0> : vector<2048xi32>
    %reduce_sum3A_190 = vector.multi_reduction <add>, %mul3A_188, %reduce_sum3A_189 [1] : vector<2048x8xi32> to vector<2048xi32>
    %broadcast_in_dim3A_191 = vector.shape_cast %reduce_sum3A_190 : vector<2048xi32> to vector<2048x1xi32>
    %add3A_192 = arith.addi %broadcast_in_dim3A_191, %sub3A_154 : vector<2048x1xi32>
    %mul3A_193 = vector.broadcast %sub3A_186 : vector<1x8xi32> to vector<2048x8xi32>
    %mul3A_194 = arith.muli %convert_element_type3A_41, %mul3A_193 : vector<2048x8xi32>
    %reduce_sum3A_195 = arith.constant dense<0> : vector<2048xi32>
    %reduce_sum3A_196 = vector.multi_reduction <add>, %mul3A_194, %reduce_sum3A_195 [1] : vector<2048x8xi32> to vector<2048xi32>
    %broadcast_in_dim3A_197 = vector.shape_cast %reduce_sum3A_196 : vector<2048xi32> to vector<2048x1xi32>
    %add3A_198 = arith.addi %broadcast_in_dim3A_197, %add3A_168 : vector<2048x1xi32>
    %broadcast_in_dim3A_199 = arith.constant 0 : i32
    %broadcast_in_dim3A_200 = vector.broadcast %broadcast_in_dim3A_199 : i32 to vector<2048x6xi32>
    %broadcast_in_dim3A_201 = arith.constant 0.000000e+00 : f32
    %broadcast_in_dim3A_202 = vector.broadcast %broadcast_in_dim3A_201 : f32 to vector<2048x6xf32>
    %concatenate3A_203 = tpu.concatenate %add3A_192, %add3A_198, %broadcast_in_dim3A_200 in 1 : vector<2048x1xi32>, vector<2048x1xi32>, vector<2048x6xi32> -> vector<2048x8xi32>
    %swap3A_204 = arith.constant 0 : index
    %swap3A_205 = arith.constant 0 : index
    %swap3A_206 = vector.load %arg3[%swap3A_204, %swap3A_205] : memref<2048x8xi32, #tpu.memory_space<vmem>>, vector<2048x8xi32>
    tpu.vector_store %arg3[%swap3A_204, %swap3A_205], %concatenate3A_203 {strides = array<i32>} : memref<2048x8xi32, #tpu.memory_space<vmem>>, vector<2048x8xi32>,
    %concatenate3A_207 = tpu.concatenate %div3A_32, %div3A_36, %broadcast_in_dim3A_202 in 1 : vector<2048x1xf32>, vector<2048x1xf32>, vector<2048x6xf32> -> vector<2048x8xf32>
    %swap3A_208 = arith.constant 0 : index
    %swap3A_209 = arith.constant 0 : index
    %swap3A_210 = vector.load %arg4[%swap3A_208, %swap3A_209] : memref<2048x8xf32, #tpu.memory_space<vmem>>, vector<2048x8xf32>
    tpu.vector_store %arg4[%swap3A_208, %swap3A_209], %concatenate3A_207 {strides = array<i32>} : memref<2048x8xf32, #tpu.memory_space<vmem>>, vector<2048x8xf32>,
    %iota3A_211 = tpu.iota {dimensions = array<i32: 0>} : vector<24x8xi32>
    %mul3A_212 = arith.constant 512 : i32
    %mul3A_213 = vector.broadcast %mul3A_212 : i32 to vector<24x8xi32>
    %mul3A_214 = arith.muli %iota3A_211, %mul3A_213 : vector<24x8xi32>
    %ge3A = vector.broadcast %convert_element_type3A_185 : vector<1x8xi32> to vector<24x8xi32>
    %ge3A_215 = arith.cmpi sge, %mul3A_214, %ge3A : vector<24x8xi32>
    %convert_element_type3A_216 = arith.extui %ge3A_215 : vector<24x8xi1> to vector<24x8xi32>
    %reduce_sum3A_217 = arith.constant dense<0> : vector<24xi32>
    %reduce_sum3A_218 = vector.multi_reduction <add>, %convert_element_type3A_216, %reduce_sum3A_217 [1] : vector<24x8xi32> to vector<24xi32>
    %broadcast_in_dim3A_219 = vector.shape_cast %reduce_sum3A_218 : vector<24xi32> to vector<24x1xi32>
    %min3A = arith.constant 7 : i32
    %min3A_220 = vector.broadcast %min3A : i32 to vector<24x1xi32>
    %min3A_221 = arith.minsi %broadcast_in_dim3A_219, %min3A_220 : vector<24x1xi32>
    %slice3A_222 = vector.extract_strided_slice %mul3A_214 {offsets = [0, 0], sizes = [24, 1], strides = [1, 1]} : vector<24x8xi32> to vector<24x1xi32>
    %slice3A_223 = vector.extract_strided_slice %convert_element_type3A_185 {offsets = [0, 7], sizes = [1, 1], strides = [1, 1]} : vector<1x8xi32> to vector<1x1xi32>
    %lt3A = vector.broadcast %slice3A_223 : vector<1x1xi32> to vector<24x1xi32>
    %lt3A_224 = arith.cmpi slt, %slice3A_222, %lt3A : vector<24x1xi32>
    %convert_element_type3A_225 = arith.extui %lt3A_224 : vector<24x1xi1> to vector<24x1xi32>
    %broadcast_in_dim3A_226 = arith.constant 0 : i32
    %broadcast_in_dim3A_227 = vector.broadcast %broadcast_in_dim3A_226 : i32 to vector<24x6xi32>
    %concatenate3A_228 = tpu.concatenate %min3A_221, %convert_element_type3A_225, %broadcast_in_dim3A_227 in 1 : vector<24x1xi32>, vector<24x1xi32>, vector<24x6xi32> -> vector<24x8xi32>
    %swap3A_229 = arith.constant 0 : index
    %swap3A_230 = arith.constant 0 : index
    %swap3A_231 = vector.load %arg5[%swap3A_229, %swap3A_230] : memref<24x8xi32, #tpu.memory_space<vmem>>, vector<24x8xi32>
    tpu.vector_store %arg5[%swap3A_229, %swap3A_230], %concatenate3A_228 {strides = array<i32>} : memref<24x8xi32, #tpu.memory_space<vmem>>, vector<24x8xi32>,
    return
  }
}

module attributes {stable_mosaic.version = 14 : i64} {
  func.func @_ffn_body(%arg0: i32, %arg1: memref<24xi32, #tpu.memory_space<smem>>, %arg2: memref<24xi32, #tpu.memory_space<smem>>, %arg3: memref<512x1024xf32, #tpu.memory_space<vmem>>, %arg4: memref<1x2048x1024xf32, #tpu.memory_space<vmem>>, %arg5: memref<1x1024x2048xf32, #tpu.memory_space<vmem>>, %arg6: memref<1x2048x1024xf32, #tpu.memory_space<vmem>>, %arg7: memref<512x1024xf32, #tpu.memory_space<vmem>>) attributes {dimension_semantics = [#tpu.dimension_semantics<arbitrary>], iteration_bounds = array<i64: 16>, scalar_prefetch = 2 : i64, scratch_operands = 0 : i64, tpu.core_type = #tpu.core_type<tc>, window_params = [{transform_indices = @transform_0, window_bounds = array<i64: 512, 1024>}, {transform_indices = @transform_1, window_bounds = array<i64: 1, 2048, 1024>}, {transform_indices = @transform_2, window_bounds = array<i64: 1, 1024, 2048>}, {transform_indices = @transform_3, window_bounds = array<i64: 1, 2048, 1024>}, {transform_indices = @transform_4, window_bounds = array<i64: 512, 1024>}]} {
    %get3A = arith.index_cast %arg0 : i32 to index
    %get3A_0 = memref.load %arg2[%get3A] : memref<24xi32, #tpu.memory_space<smem>>
    %eq3A = arith.constant 1 : i32
    %eq3A_1 = arith.cmpi eq, %get3A_0, %eq3A : i32
    %convert_element_type3A = arith.extui %eq3A_1 : i1 to i32
    %cond3A = arith.constant 0 : i32
    %cond3A_2 = arith.cmpi ne, %convert_element_type3A, %cond3A : i32
    scf.if %cond3A_2 {
      %get3A_3 = arith.constant 0 : index
      %get3A_4 = arith.constant 0 : index
      %get3A_5 = vector.load %arg3[%get3A_3, %get3A_4] : memref<512x1024xf32, #tpu.memory_space<vmem>>, vector<512x1024xf32>
      %get3A_6 = arith.constant 0 : index
      %get3A_7 = arith.constant 0 : index
      %get3A_8 = arith.constant 0 : index
      %get3A_9 = vector.load %arg4[%get3A_6, %get3A_7, %get3A_8] : memref<1x2048x1024xf32, #tpu.memory_space<vmem>>, vector<1x2048x1024xf32>
      %get3A_10 = vector.shape_cast %get3A_9 : vector<1x2048x1024xf32> to vector<2048x1024xf32>
      %transpose3A = tpu.transpose %get3A_10, [1, 0] : vector<2048x1024xf32> -> vector<1024x2048xf32>
      %dot_general3A = arith.constant dense<0.000000e+00> : vector<512x2048xf32>
      %dot_general3A_11 = tpu.matmul %get3A_5, %transpose3A, %dot_general3A {dimension_numbers = #tpu.dot_dimension_numbers<[1], [0], [0], [1], [0, 0, 1, 1], [], []>, transpose_lhs_hint = false} : vector<512x1024xf32>, vector<1024x2048xf32>, vector<512x2048xf32> -> vector<512x2048xf32>
      %get3A_12 = arith.constant 0 : index
      %get3A_13 = arith.constant 0 : index
      %get3A_14 = arith.constant 0 : index
      %get3A_15 = vector.load %arg6[%get3A_12, %get3A_13, %get3A_14] : memref<1x2048x1024xf32, #tpu.memory_space<vmem>>, vector<1x2048x1024xf32>
      %get3A_16 = vector.shape_cast %get3A_15 : vector<1x2048x1024xf32> to vector<2048x1024xf32>
      %transpose3A_17 = tpu.transpose %get3A_16, [1, 0] : vector<2048x1024xf32> -> vector<1024x2048xf32>
      %dot_general3A_18 = arith.constant dense<0.000000e+00> : vector<512x2048xf32>
      %dot_general3A_19 = tpu.matmul %get3A_5, %transpose3A_17, %dot_general3A_18 {dimension_numbers = #tpu.dot_dimension_numbers<[1], [0], [0], [1], [0, 0, 1, 1], [], []>, transpose_lhs_hint = false} : vector<512x1024xf32>, vector<1024x2048xf32>, vector<512x2048xf32> -> vector<512x2048xf32>
      %logistic3A = arith.negf %dot_general3A_11 : vector<512x2048xf32>
      %logistic3A_20 = math.exp %logistic3A : vector<512x2048xf32>
      %logistic3A_21 = arith.constant 1.000000e+00 : f32
      %logistic3A_22 = vector.broadcast %logistic3A_21 : f32 to vector<512x2048xf32>
      %logistic3A_23 = arith.addf %logistic3A_22, %logistic3A_20 : vector<512x2048xf32>
      %logistic3A_24 = arith.divf %logistic3A_22, %logistic3A_23 : vector<512x2048xf32>
      %mul3A = arith.mulf %dot_general3A_11, %logistic3A_24 : vector<512x2048xf32>
      %mul3A_25 = arith.mulf %mul3A, %dot_general3A_19 : vector<512x2048xf32>
      %get3A_26 = arith.constant 0 : index
      %get3A_27 = arith.constant 0 : index
      %get3A_28 = arith.constant 0 : index
      %get3A_29 = vector.load %arg5[%get3A_26, %get3A_27, %get3A_28] : memref<1x1024x2048xf32, #tpu.memory_space<vmem>>, vector<1x1024x2048xf32>
      %get3A_30 = vector.shape_cast %get3A_29 : vector<1x1024x2048xf32> to vector<1024x2048xf32>
      %transpose3A_31 = tpu.transpose %get3A_30, [1, 0] : vector<1024x2048xf32> -> vector<2048x1024xf32>
      %dot_general3A_32 = arith.constant dense<0.000000e+00> : vector<512x1024xf32>
      %dot_general3A_33 = tpu.matmul %mul3A_25, %transpose3A_31, %dot_general3A_32 {dimension_numbers = #tpu.dot_dimension_numbers<[1], [0], [0], [1], [0, 0, 1, 1], [], []>, transpose_lhs_hint = false} : vector<512x2048xf32>, vector<2048x1024xf32>, vector<512x1024xf32> -> vector<512x1024xf32>
      %swap3A = arith.constant 0 : index
      %swap3A_34 = arith.constant 0 : index
      %swap3A_35 = vector.load %arg7[%swap3A, %swap3A_34] : memref<512x1024xf32, #tpu.memory_space<vmem>>, vector<512x1024xf32>
      tpu.vector_store %arg7[%swap3A, %swap3A_34], %dot_general3A_33 {strides = array<i32>} : memref<512x1024xf32, #tpu.memory_space<vmem>>, vector<512x1024xf32>,
    } else {
    }
    return
  }
  func.func @transform_0(%arg0: i32, %arg1: memref<24xi32, #tpu.memory_space<smem>>, %arg2: memref<24xi32, #tpu.memory_space<smem>>) -> (i32, i32) {
    %c0_i32 = arith.constant 0 : i32
    %c0_i32_0 = arith.constant 0 : i32
    return %arg0, %c0_i32 : i32, i32
  }
  func.func @transform_1(%arg0: i32, %arg1: memref<24xi32, #tpu.memory_space<smem>>, %arg2: memref<24xi32, #tpu.memory_space<smem>>) -> (i32, i32, i32) {
    %get3A = arith.index_cast %arg0 : i32 to index
    %get3A_0 = memref.load %arg1[%get3A] : memref<24xi32, #tpu.memory_space<smem>>
    %c0_i32 = arith.constant 0 : i32
    %c0_i32_1 = arith.constant 0 : i32
    %c0_i32_2 = arith.constant 0 : i32
    return %get3A_0, %c0_i32, %c0_i32_1 : i32, i32, i32
  }
  func.func @transform_2(%arg0: i32, %arg1: memref<24xi32, #tpu.memory_space<smem>>, %arg2: memref<24xi32, #tpu.memory_space<smem>>) -> (i32, i32, i32) {
    %get3A = arith.index_cast %arg0 : i32 to index
    %get3A_0 = memref.load %arg1[%get3A] : memref<24xi32, #tpu.memory_space<smem>>
    %c0_i32 = arith.constant 0 : i32
    %c0_i32_1 = arith.constant 0 : i32
    %c0_i32_2 = arith.constant 0 : i32
    return %get3A_0, %c0_i32, %c0_i32_1 : i32, i32, i32
  }
  func.func @transform_3(%arg0: i32, %arg1: memref<24xi32, #tpu.memory_space<smem>>, %arg2: memref<24xi32, #tpu.memory_space<smem>>) -> (i32, i32, i32) {
    %get3A = arith.index_cast %arg0 : i32 to index
    %get3A_0 = memref.load %arg1[%get3A] : memref<24xi32, #tpu.memory_space<smem>>
    %c0_i32 = arith.constant 0 : i32
    %c0_i32_1 = arith.constant 0 : i32
    %c0_i32_2 = arith.constant 0 : i32
    return %get3A_0, %c0_i32, %c0_i32_1 : i32, i32, i32
  }
  func.func @transform_4(%arg0: i32, %arg1: memref<24xi32, #tpu.memory_space<smem>>, %arg2: memref<24xi32, #tpu.memory_space<smem>>) -> (i32, i32) {
    %c0_i32 = arith.constant 0 : i32
    %c0_i32_0 = arith.constant 0 : i32
    return %arg0, %c0_i32 : i32, i32
  }
}

module attributes {stable_mosaic.version = 14 : i64} {
  func.func @_combine_body(%arg0: i32, %arg1: memref<256x1024xf32, #tpu.memory_space<vmem>>, %arg2: memref<256x1024xf32, #tpu.memory_space<vmem>>, %arg3: memref<256x8xf32, #tpu.memory_space<vmem>>, %arg4: memref<256x1024xf32, #tpu.memory_space<vmem>>) attributes {dimension_semantics = [#tpu.dimension_semantics<arbitrary>], iteration_bounds = array<i64: 8>, scalar_prefetch = 0 : i64, scratch_operands = 0 : i64, tpu.core_type = #tpu.core_type<tc>, window_params = [{transform_indices = @transform_0, window_bounds = array<i64: 256, 1024>}, {transform_indices = @transform_1, window_bounds = array<i64: 256, 1024>}, {transform_indices = @transform_2, window_bounds = array<i64: 256, 8>}, {transform_indices = @transform_3, window_bounds = array<i64: 256, 1024>}]} {
    %get3A = arith.constant 0 : index
    %get3A_0 = arith.constant 0 : index
    %get3A_1 = vector.load %arg3[%get3A, %get3A_0] : memref<256x8xf32, #tpu.memory_space<vmem>>, vector<256x1xf32>
    %get3A_2 = arith.constant 0 : index
    %get3A_3 = arith.constant 1 : index
    %get3A_4 = vector.load %arg3[%get3A_2, %get3A_3] : memref<256x8xf32, #tpu.memory_space<vmem>>, vector<256x1xf32>
    %get3A_5 = arith.constant 0 : index
    %get3A_6 = arith.constant 0 : index
    %get3A_7 = vector.load %arg1[%get3A_5, %get3A_6] : memref<256x1024xf32, #tpu.memory_space<vmem>>, vector<256x1024xf32>
    %mul3A = vector.broadcast %get3A_1 : vector<256x1xf32> to vector<256x1024xf32>
    %mul3A_8 = arith.mulf %mul3A, %get3A_7 : vector<256x1024xf32>
    %get3A_9 = arith.constant 0 : index
    %get3A_10 = arith.constant 0 : index
    %get3A_11 = vector.load %arg2[%get3A_9, %get3A_10] : memref<256x1024xf32, #tpu.memory_space<vmem>>, vector<256x1024xf32>
    %mul3A_12 = vector.broadcast %get3A_4 : vector<256x1xf32> to vector<256x1024xf32>
    %mul3A_13 = arith.mulf %mul3A_12, %get3A_11 : vector<256x1024xf32>
    %add3A = arith.addf %mul3A_8, %mul3A_13 : vector<256x1024xf32>
    %swap3A = arith.constant 0 : index
    %swap3A_14 = arith.constant 0 : index
    %swap3A_15 = vector.load %arg4[%swap3A, %swap3A_14] : memref<256x1024xf32, #tpu.memory_space<vmem>>, vector<256x1024xf32>
    tpu.vector_store %arg4[%swap3A, %swap3A_14], %add3A {strides = array<i32>} : memref<256x1024xf32, #tpu.memory_space<vmem>>, vector<256x1024xf32>,
    return
  }
  func.func @transform_0(%arg0: i32) -> (i32, i32) {
    %c0_i32 = arith.constant 0 : i32
    %c0_i32_0 = arith.constant 0 : i32
    return %arg0, %c0_i32 : i32, i32
  }
  func.func @transform_1(%arg0: i32) -> (i32, i32) {
    %c0_i32 = arith.constant 0 : i32
    %c0_i32_0 = arith.constant 0 : i32
    return %arg0, %c0_i32 : i32, i32
  }
  func.func @transform_2(%arg0: i32) -> (i32, i32) {
    %c0_i32 = arith.constant 0 : i32
    %c0_i32_0 = arith.constant 0 : i32
    return %arg0, %c0_i32 : i32, i32
  }
  func.func @transform_3(%arg0: i32) -> (i32, i32) {
    %c0_i32 = arith.constant 0 : i32
    %c0_i32_0 = arith.constant 0 : i32
    return %arg0, %c0_i32 : i32, i32
  }
}

</mosaic_0001>

<sc_bundles>
// kernel: kernel.10.cloned.1.call-start
scs
__scs_entry_jumppad:
0x0: {  	(pc) =	sbr.rel $0x88, $3  }
0x1: {  	(tag) =	ssettag $0x0;
	lr =	simm.s32 $0x1  }
0x2: {  	[smem:$0x3F9C] =	sst lr;
	_ =	strace $0xD0000000  }
0x3: {  	_ = 	snop  }
0x4: {  	_ = 	snop  }
0x5: {  	_ = 	snop  }
0x6: {  	_ = 	snop  }
0x7: {  	_ = 	snop  }
__scs_overlays_trampoline_lowered:
0x8: {  	[smem:$0x3FAB] =	sst s0  }
0x9: {  	[smem:$0x3FAC] =	sst s1  }
0xa: {  	[smem:$0x3FAD] =	sst s2  }
0xb: {  	[smem:$0x3FAE] =	sst s3  }
0xc: {  	[smem:$0x3FAF] =	sst s4  }
0xd: {  	[smem:$0x3FB0] =	sst s5  }
0xe: {  	[smem:$0x3FB1] =	sst s6  }
0xf: {  	[smem:$0x3FB2] =	sst s7  }
0x10: {  	[smem:$0x3FB3] =	sst s8  }
0x11: {  	[smem:$0x3FB4] =	sst s9;
	s0 =	simm.s32 @!p0 $0x0  }
0x12: {  	s1 =	sld [smem:$0x3F9A];
	s0 =	simm.s32 @p0 $0x1  }
0x13: {  	[smem:$0x3FB5] =	sst s0;
	s0 =	simm.s32 @!p1 $0x0  }
0x14: {  	s2 =	sld [smem:$0x3F99];
	s0 =	simm.s32 @p1 $0x1  }
0x15: {  	[smem:$0x3FB6] =	sst s0;
	s0 =	simm.s32 @!p2 $0x0  }
0x16: {  	s3 =	sld [smem:$0x3FDB];
	s0 =	simm.s32 @p2 $0x1  }
0x17: {  	s4 =	simm.s32 $0x1BF5;
	[smem:$0x3FB8] =	sst s0  }
0x18: {  	s0 =	sld [smem:$0x3F9B];
	_ =	swait.ge [sflag:s4], $0x0  }
0x19: {  	s7 =	sld [smem:$0x3F9C]  }
0x1a: {  	s8 =	sadd.s32 $0xFFFFE003, lr  }
0x1b: {  	s9 =	sadd.s32 $0xFFFFFEF7, lr;
	s5 =	simm.s32 $0xFFFFFFFF;
	p2 =	slt.u32 s8, $0xFFFFF086  }
0x1c: {  	p1 =	slt.u32 s9, $0xF7A;
	s5 =	simm.s32 @!p2 $0x0  }
0x1d: {  	s5 =	simm.s32 @p1 $0x1;
	p0 =	seq.s32 s7, s2  }
0x1e: {  	s7 =	smul.u32 @!p0 $0xF7A, s2;
	p2 =	seq.s32 @!p0 s5, $0x0  }
0x1f: {  	s9 =	smul.u32 $0xF7A, s1;
	s8 =	simm.s32 @!p0 $0x1BF5;
	p2 =	por !p2, p0  }
0x20: {  	[sflag:s8] =	ssyncset.s32 @!p0 $0xFFFFF086;
	s6 =	sadd.s32 @!p0 s3, s7;
	s7 =	simm.s32 @!p0 $0x108  }
0x21: {  	s3 =	sadd.s32 s3, s9;
	s6 =	sadd.s32 @!p0 $0x88, s6;
	s7 =	simm.s32 @p2 $0x1082  }
0x22: {  	[simem:s7], [sflag:s8] =	dma.local @!p0 [hbm:s6], $0xF7A  }
0x23: {  	s9 =	sor.u32 $0xD0000000, s2;
	s6 =	simm.s32 $0x108;
	_ =	swait.ge @!p0 [sflag:s8], $0x0  }
0x24: {  	s3 =	sadd.s32 $0x88, s3;
	s6 =	simm.s32 @!p1 $0x1082;
	[sflag:s4] =	ssyncset.s32 $0xFFFFF086  }
0x25: {  	[simem:s6], [sflag:s4] =	dma.local [hbm:s3], $0xF7A  }
0x26: {  	[smem:$0x3F9C] =	sst s1;
	(tag) =	ssettag s2;
	_ =	strace s9  }
0x27: {  	s1 =	sld [smem:$0x3FAC]  }
0x28: {  	s2 =	sld [smem:$0x3FAD]  }
0x29: {  	s4 =	sld [smem:$0x3FAF]  }
0x2a: {  	p0 =	seq.s32 s5, $0x0;
	s5 =	sld [smem:$0x3FB0]  }
0x2b: {  	s6 =	sld [smem:$0x3FB1]  }
0x2c: {  	s7 =	sld [smem:$0x3FB2]  }
0x2d: {  	s3 =	simm.s32 $0x108;
	s8 =	sld [smem:$0x3FB3]  }
0x2e: {  	s3 =	simm.s32 @!p0 $0x1082;
	s9 =	sld [smem:$0x3FB4]  }
0x2f: {  	lr =	sadd.s32 s0, s3;
	s0 =	sld [smem:$0x3FAB]  }
0x30: {  	s3 =	sld [smem:$0x3FAE]  }
0x31: {  	[smem:$0x3FB7] =	sst s10  }
0x32: {  	s10 =	sld [smem:$0x3FB5];
	_ =	sdelay $0x3  }
0x33: {  	p0 =	seq.s32 s10, $0x1;
	s10 =	sld [smem:$0x3FB7];
	_ =	sdelay $0x3  }
0x34: {  	[smem:$0x3FB7] =	sst s10  }
0x35: {  	s10 =	sld [smem:$0x3FB6];
	_ =	sdelay $0x3  }
0x36: {  	p1 =	seq.s32 s10, $0x1;
	s10 =	sld [smem:$0x3FB7];
	_ =	sdelay $0x3  }
0x37: {  	[smem:$0x3FB7] =	sst s10  }
0x38: {  	s10 =	sld [smem:$0x3FB8]  }
0x39: {  	_ = 	snop;
	(pc) =	sbr.ind lr, $3  }
0x3a: {  	_ = 	snop  }
0x3b: {  	_ = 	snop  }
0x3c: {  	p2 =	seq.s32 s10, $0x1;
	s10 =	sld [smem:$0x3FB7]  }
0x3d: {  	_ =	shalt  }
0x3e: {  	_ =	shalt  }
0x3f: {  	_ =	shalt  }
0x40: {  	_ =	shalt  }
0x41: {  	_ =	shalt  }
0x42: {  	_ =	shalt  }
0x43: {  	_ =	shalt  }
0x44: {  	_ =	shalt  }
0x45: {  	_ =	shalt  }
0x46: {  	_ =	shalt  }
0x47: {  	_ =	shalt  }
0x48: {  	_ =	shalt  }
0x49: {  	_ =	shalt  }
0x4a: {  	_ =	shalt  }
0x4b: {  	_ =	shalt  }
0x4c: {  	_ =	shalt  }
0x4d: {  	_ =	shalt  }
0x4e: {  	_ =	shalt  }
0x4f: {  	_ =	shalt  }
0x50: {  	_ =	shalt  }
0x51: {  	_ =	shalt  }
0x52: {  	_ =	shalt  }
0x53: {  	_ =	shalt  }
0x54: {  	_ =	shalt  }
0x55: {  	_ =	shalt  }
0x56: {  	_ =	shalt  }
0x57: {  	_ =	shalt  }
0x58: {  	_ =	shalt  }
0x59: {  	_ =	shalt  }
0x5a: {  	_ =	shalt  }
0x5b: {  	_ =	shalt  }
0x5c: {  	_ =	shalt  }
0x5d: {  	_ =	shalt  }
0x5e: {  	_ =	shalt  }
0x5f: {  	_ =	shalt  }
0x60: {  	_ =	shalt  }
0x61: {  	_ =	shalt  }
0x62: {  	_ =	shalt  }
0x63: {  	_ =	shalt  }
0x64: {  	_ =	shalt  }
0x65: {  	_ =	shalt  }
0x66: {  	_ =	shalt  }
0x67: {  	_ =	shalt  }
0x68: {  	_ =	shalt  }
0x69: {  	_ =	shalt  }
0x6a: {  	_ =	shalt  }
0x6b: {  	_ =	shalt  }
0x6c: {  	_ =	shalt  }
0x6d: {  	_ =	shalt  }
0x6e: {  	_ =	shalt  }
0x6f: {  	_ =	shalt  }
0x70: {  	_ =	shalt  }
0x71: {  	_ =	shalt  }
0x72: {  	_ =	shalt  }
0x73: {  	_ =	shalt  }
0x74: {  	_ =	shalt  }
0x75: {  	_ =	shalt  }
0x76: {  	_ =	shalt  }
0x77: {  	_ =	shalt  }
0x78: {  	_ =	shalt  }
0x79: {  	_ =	shalt  }
0x7a: {  	_ =	shalt  }
0x7b: {  	_ =	shalt  }
0x7c: {  	_ =	shalt  }
0x7d: {  	_ =	shalt  }
0x7e: {  	_ =	shalt  }
0x7f: {  	_ =	shalt  }
0x80: {  	_ =	shalt  }
0x81: {  	_ =	shalt  }
0x82: {  	_ =	shalt  }
0x83: {  	_ =	shalt  }
0x84: {  	_ =	shalt  }
0x85: {  	_ =	shalt  }
0x86: {  	_ =	shalt  }
0x87: {  	_ =	shalt  }
.Lfunc_end0:
.L_simem_size_0:
called_computation.1_lowered:
.L_overlay_start_0:
0x88: {  	s2 =	sld [smem:$0x3FD9]  }
0x89: {  	s3 =	sld [smem:$0x3FFE];
	_ =	sdelay $0x1  }
0x8a: {  	s1 =	srdreg.scid  }
0x8b: {  	s0 =	sand.u32 $0x1, s1  }
0x8c: {  	s14 =	sshll.u32 s0, $0xA;
	s2 =	sadd.s32 s3, s2  }
0x8d: {  	s2 =	sadd.s32 s2, s14  }
0x8e: {  	[smem:$0x3FC3] =	sst s2  }
0x8f: {  	_ = 	snop  }
0x90: {  	s2 =	sld [smem:$0x3FD0];
	_ =	sdelay $0x2  }
0x91: {  	s15 =	simm.s32 $0xA;
	s4 =	simm.s32 $0x10  }
0x92: {  	[smem:s4], [sflag:s15] =	dma.local [hbm:s2], $0x1  }
0x93: {  	_ =	swait.eq [sflag:s15], $0x1  }
0x94: {  	[sflag:s15] =	ssyncset.done $0x0  }
0x95: {  	[sflag:s15] =	ssyncadd.s32 $0xFFFFFFFF  }
0x96: {  	s16 =	sld [smem:$0x10];
	(tm) =	ssettm $0x1  }
0x97: {  	s17 =	sld [smem:$0x3FFB];
	_ =	sdelay $0x3  }
0x98: {  	_ =	strace s17  }
0x99: {  	s3 =	sld [smem:$0x3FFC];
	_ =	sdelay $0x3  }
0x9a: {  	_ =	strace s3  }
0x9b: {  	s3 =	sld [smem:$0x3FFD];
	_ =	sdelay $0x3  }
0x9c: {  	_ =	strace s3  }
0x9d: {  	_ =	strace $0x8FFFFFFF  }
0x9e: {  	s18 =	sld [smem:$0x3FDB];
	_ =	sdelay $0x1  }
0x9f: {  	s19 =	simm.s32 $_scs_section_size  }
0xa0: {  	s5 =	simm.s32 $_size__tile_overlayer_lowered;
	s6 =	simm.s32 $_tile_overlayer_lowered  }
0xa1: {  	s22 =	simm.s32 $0x1BFF;
	s21 =	sshll.u32 s6, $0x1;
	s3 =	sadd.s32 s19, s18  }
0xa2: {  	s7 =	simm.s32 $0x0;
	s20 =	sshll.u32 s5, $0x1;
	s5 =	sadd.s32 s21, s3  }
0xa3: {  	[timem:s7], [sflag:s22] =	dma.local [hbm:s5], s20  }
0xa4: {  	_ =	swait.ge [sflag:s22], s20  }
0xa5: {  	s4 =	ssub.s32 $0x0, s20;
	[sflag:s22] =	ssyncset.done $0x0  }
0xa6: {  	[sflag:s22] =	ssyncadd.s32 s4;
	_ =	sdelay $0x1  }
0xa7: {  	s23 =	simm.s32 $0x1B8B  }
0xa8: {  	_ =	swait.ge [sflag:s23], $0x1  }
0xa9: {  	[sflag:s23] =	ssyncset.done $0x0  }
0xaa: {  	s25 =	simm.s32 $0x1B8E;
	s24 =	sld [smem:$0x3FFE];
	[sflag:s23] =	ssyncadd.s32 $0xFFFFFFFF  }
0xab: {  	s26 =	simm.s32 $execute0_lowered;
	[smem:$0x3FD2] =	sst s25  }
0xac: {  	s5 =	sshll.u32 s26, $0x1;
	_ =	strace $0x80000049;
	[dreg:$0x1] =	wrdreg $0xFFFFFFFF  }
0xad: {  	s28 =	simm.s32 $_size_execute0_lowered;
	s3 =	sadd.s32 s3, s5;
	[dreg:$0x0] =	wrdreg $0x0  }
0xae: {  	s5 =	sshll.u32 s28, $0x1;
	[dreg:$0x2] =	wrdreg s3  }
0xaf: {  	[dreg:$0x3] =	wrdreg s5  }
0xb0: {  	[dreg:$0x4] =	wrdreg $0xC0  }
0xb1: {  	_ =	task [dreg:s7], $0x5FFFF  }
0xb2: {  	[dreg:$0x1] =	wrdreg $0xFFFFFFFF  }
0xb3: {  	[dreg:$0x0] =	wrdreg $0x60  }
0xb4: {  	[dreg:$0x2] =	wrdreg s24  }
0xb5: {  	[dreg:$0x3] =	wrdreg s16  }
0xb6: {  	[dreg:$0x4] =	wrdreg $0x9  }
0xb7: {  	_ =	task.clear_ibuf [dreg:s7], $0x5FFFF;
	_ =	strace $0x90000049  }
0xb8: {  	s29 =	simm.s32 $0x9;
	_ =	strace $0x8000004B  }
0xb9: {  	_ =	swait.ge [sflag:s29], $0x1  }
0xba: {  	[sflag:s29] =	ssyncadd.s32 $0xFFFFFFFF  }
0xbb: {  	_ =	strace $0x9000004B  }
0xbc: {  	_ =	sfence  }
0xbd: {  	s30 =	sld [smem:$0x0];
	_ =	sdelay $0x2  }
0xbe: {  	s31 =	sshll.u32 s1, $0xD;
	s1 =	sshrl.u32 s1, $0x2  }
0xbf: {  	s3 =	sand.u32 $0x4000, s31;
	s1 =	sadd.s32 s1, s30  }
0xc0: {  	s0 =	sor.u32 s3, s0;
	s1 =	sshll.u32 s1, $0x11  }
0xc1: {  	s0 =	sor.u32 s1, s0  }
0xc2: {  	s0 =	sadd.s32 $0x8F2B, s0  }
0xc3: {  	[sflag:s0] =	ssyncadd.remote.s32 $0x1  }
0xc4: {  	_ =	sfence.sel $0xFFFF  }
0xc5: {  	[dreg:$0x0] =	wrdreg $0xFFFFFFFF;
	(pc) =	sbr.abs _section_cstart, $3  }
0xc6: {  	[dreg:$0x1] =	wrdreg $0xFFFFFFFF  }
0xc7: {  	_ =	task.clear_ibuf [dreg:s7], $0x2FFFF;
	_ =	strace $0x9FFFFFFF  }
0xc8: {  	(tm) =	ssettm $0x7FFFFFFF  }
0xc9: {  	_ =	shalt  }
tec
execute0_lowered:
.L_overlay_start_1:
0x0: {  	(tag) =	ssettag $0x1  }
0x1: {  	s0 =	rddreg [dreg:$0x0]  }
0x2: {  	s1 =	rddreg [dreg:$0x1];
	s3 =	srdreg.scid  }
0x3: {  	s2 =	simm.s32 $0x0;
	s5 =	stileid.u32;
	s18 =	simm.s32 $0x1  }
0x4: {  	s20 =	simm.s32 $0x880;
	s21 =	simm.s32 $0x1080;
	s28 =	simm.s32 $0x4080  }
0x5: {  	s29 =	simm.s32 $0x4880;
	s30 =	simm.s32 $0x5080;
	s31 =	simm.s32 $0x5880  }
0x6: {  	s10 =	simm.s32 $0x7080;
	s11 =	simm.s32 $0x7880;
	s12 =	simm.s32 $0x8080  }
0x7: {  	s13 =	simm.s32 $0x8880;
	s14 =	simm.s32 $0x9080;
	s15 =	simm.s32 $0x9880  }
0x8: {  	s16 =	simm.s32 $0xA080;
	s17 =	simm.s32 $0xA880;
	s9 =	simm.s32 $0xB080  }
0x9: {  	s4 =	sand.u32 $0x1, s3;
	[smem:$0x7FF] =	sst s2;
	s22 =	sshll.u32 s5, $0x7  }
0xa: {  	s3 =	sadd.s32 $0x111000, s0;
	s23 =	sshll.u32 s4, $0x6;
	s4 =	ssub.s32 $0x2, s4  }
0xb: {  	_ =	strace $0x8000004A;
	s5 =	sor.u32 s23, s22;
	s7 =	sshrl.u32 s4, $0x1  }
0xc: {  	s22 =	simm.s32 $0x1880;
	s23 =	simm.s32 $0x2080;
	s6 =	sshrl.u32 s5, $0x3  }
0xd: {  	s5 =	sshll.u32 s5, $0x7;
	s7 =	ssub.s32 s4, s7;
	s4 =	sadd.s32 $0x111100, s0  }
0xe: {  	s6 =	sadd.s32 s6, s0;
	s8 =	sadd.s32 s5, s0;
	s1 =	sadd.s32 s1, s5  }
0xf: {  	s5 =	sadd.s32 $0x111200, s0;
	s24 =	sadd.s32 $0x10E00, s6;
	[dreg:$0x4] =	wrdreg s1  }
0x10: {  	s7 =	smax.u32 s7, $0x1;
	s25 =	sadd.s32 $0x10C00, s6;
	[dreg:$0x3] =	wrdreg s24  }
0x11: {  	v2 =	vlaneseq.u32;
	s6 =	sadd.s32 $0x111300, s0;
	s26 =	sadd.s32 $0x11000, s8;
	[dreg:$0x5] =	wrdreg s25  }
0x12: {  	vm0 =	vmmov $0xffff;
	v1 =	vshrl.u32 v2, $0x3;
	s8 =	simm.s32 $0x2;
	s0 =	simm.s32 $0x80;
	[dreg:$0x6] =	wrdreg s26  }
0x13: {  	v0 =	vand.u32 $0x7, v2;
	v2 =	vor.u32 $0x8, v2;
	v1 =	vmul.u32 $0x8, v1;
	s24 =	simm.s32 $0x2880;
	s25 =	simm.s32 $0x3080;
	s26 =	simm.s32 $0x3880  }
.LBB2_1:
0x14: {  	s19 =	rddreg [dreg:$0x3]  }
0x15: {  	[tilespmem:s2], [sflag:$0x2] =	stream.linear.gather [hbm4b:s19+s2], $0x40, $0x38;
	[tilespmem:$0x10080] =	vst v63  }
0x16: {  	_ =	swait.ge [sflag:s8], $0x40  }
0x17: {  	[sflag:s8] =	ssyncset.done $0x0  }
0x18: {  	[sflag:s8] =	ssyncadd.s32 $0xFFFFFFC0  }
0x19: {  	v3 =	vld [tilespmem:$0x0];
	_ =	sdelay $0x4  }
0x1a: {  	v4 =	vshll.u32 v3, $0x3  }
0x1b: {  	v3 =	vand.u32 $0x7, v3;
	v4 =	vand.u32 $0xFFFFFFC0, v4  }
0x1c: {  	v3 =	vor.u32 v3, v4  }
0x1d: {  	v4 =	vperm.xlane v3, v0;
	_ =	sdelay $0x1  }
0x1e: {  	v4 =	vadd.s32 v1, v4;
	_ =	sdelay $0x4  }
0x1f: {  	[tilespmem:s0], [sflag:$0x1] =	stream.indirect_vreg.gather [hbm4b:s3+s2], $0x80, v4, vm0, $0xb8;
	[tilespmem:$0x10080] =	vst v63  }
0x20: {  	v3 =	vperm.xlane v3, v2  }
0x21: {  	[tilespmem:s20], [sflag:$0x1] =	stream.indirect_vreg.gather [hbm4b:s4+s2], $0x80, v4, vm0, $0xb8;
	[tilespmem:$0x10080] =	vst v63  }
0x22: {  	v3 =	vadd.s32 v1, v3  }
0x23: {  	[tilespmem:s21], [sflag:$0x1] =	stream.indirect_vreg.gather [hbm4b:s5+s2], $0x80, v4, vm0, $0xb8;
	[tilespmem:$0x10080] =	vst v63  }
0x24: {  	_ = 	snop  }
0x25: {  	[tilespmem:s22], [sflag:$0x1] =	stream.indirect_vreg.gather [hbm4b:s6+s2], $0x80, v4, vm0, $0xb8;
	[tilespmem:$0x10080] =	vst v63  }
0x26: {  	_ = 	snop  }
0x27: {  	[tilespmem:s23], [sflag:$0x1] =	stream.indirect_vreg.gather [hbm4b:s3+s2], $0x80, v3, vm0, $0xb8;
	[tilespmem:$0x10080] =	vst v63  }
0x28: {  	_ = 	snop  }
0x29: {  	[tilespmem:s24], [sflag:$0x1] =	stream.indirect_vreg.gather [hbm4b:s4+s2], $0x80, v3, vm0, $0xb8;
	[tilespmem:$0x10080] =	vst v63  }
0x2a: {  	_ = 	snop  }
0x2b: {  	[tilespmem:s25], [sflag:$0x1] =	stream.indirect_vreg.gather [hbm4b:s5+s2], $0x80, v3, vm0, $0xb8;
	[tilespmem:$0x10080] =	vst v63  }
0x2c: {  	_ = 	snop  }
0x2d: {  	[tilespmem:s26], [sflag:$0x1] =	stream.indirect_vreg.gather [hbm4b:s6+s2], $0x80, v3, vm0, $0xb8;
	[tilespmem:$0x10080] =	vst v63  }
0x2e: {  	v3 =	vld [tilespmem:$0x10];
	_ =	sdelay $0x4  }
0x2f: {  	v57 =	vshll.u32 v3, $0x3  }
0x30: {  	v3 =	vand.u32 $0x7, v3;
	v4 =	vand.u32 $0xFFFFFFC0, v57  }
0x31: {  	v3 =	vor.u32 v3, v4  }
0x32: {  	v4 =	vperm.xlane v3, v0;
	_ =	sdelay $0x1  }
0x33: {  	v4 =	vadd.s32 v1, v4;
	_ =	sdelay $0x4  }
0x34: {  	[tilespmem:s28], [sflag:$0x1] =	stream.indirect_vreg.gather [hbm4b:s3+s2], $0x80, v4, vm0, $0xb8;
	[tilespmem:$0x10080] =	vst v63  }
0x35: {  	v3 =	vperm.xlane v3, v2  }
0x36: {  	[tilespmem:s29], [sflag:$0x1] =	stream.indirect_vreg.gather [hbm4b:s4+s2], $0x80, v4, vm0, $0xb8;
	[tilespmem:$0x10080] =	vst v63  }
0x37: {  	v3 =	vadd.s32 v1, v3  }
0x38: {  	[tilespmem:s30], [sflag:$0x1] =	stream.indirect_vreg.gather [hbm4b:s5+s2], $0x80, v4, vm0, $0xb8;
	[tilespmem:$0x10080] =	vst v63  }
0x39: {  	_ = 	snop  }
0x3a: {  	[tilespmem:s31], [sflag:$0x1] =	stream.indirect_vreg.gather [hbm4b:s6+s2], $0x80, v4, vm0, $0xb8;
	[tilespmem:$0x10080] =	vst v63  }
0x3b: {  	s1 =	simm.s32 $0x6080  }
0x3c: {  	[tilespmem:s1], [sflag:$0x1] =	stream.indirect_vreg.gather [hbm4b:s3+s2], $0x80, v3, vm0, $0xb8;
	[tilespmem:$0x10080] =	vst v63  }
0x3d: {  	s1 =	simm.s32 $0x6880  }
0x3e: {  	[tilespmem:s1], [sflag:$0x1] =	stream.indirect_vreg.gather [hbm4b:s4+s2], $0x80, v3, vm0, $0xb8;
	[tilespmem:$0x10080] =	vst v63  }
0x3f: {  	_ = 	snop  }
0x40: {  	[tilespmem:s10], [sflag:$0x1] =	stream.indirect_vreg.gather [hbm4b:s5+s2], $0x80, v3, vm0, $0xb8;
	[tilespmem:$0x10080] =	vst v63  }
0x41: {  	_ = 	snop  }
0x42: {  	[tilespmem:s11], [sflag:$0x1] =	stream.indirect_vreg.gather [hbm4b:s6+s2], $0x80, v3, vm0, $0xb8;
	[tilespmem:$0x10080] =	vst v63  }
0x43: {  	v3 =	vld [tilespmem:$0x20];
	_ =	sdelay $0x4  }
0x44: {  	v58 =	vshll.u32 v3, $0x3  }
0x45: {  	v3 =	vand.u32 $0x7, v3;
	v4 =	vand.u32 $0xFFFFFFC0, v58  }
0x46: {  	v3 =	vor.u32 v3, v4  }
0x47: {  	v4 =	vperm.xlane v3, v0;
	_ =	sdelay $0x1  }
0x48: {  	v4 =	vadd.s32 v1, v4;
	_ =	sdelay $0x4  }
0x49: {  	[tilespmem:s12], [sflag:$0x1] =	stream.indirect_vreg.gather [hbm4b:s3+s2], $0x80, v4, vm0, $0xb8;
	[tilespmem:$0x10080] =	vst v63  }
0x4a: {  	v3 =	vperm.xlane v3, v2  }
0x4b: {  	[tilespmem:s13], [sflag:$0x1] =	stream.indirect_vreg.gather [hbm4b:s4+s2], $0x80, v4, vm0, $0xb8;
	[tilespmem:$0x10080] =	vst v63  }
0x4c: {  	v3 =	vadd.s32 v1, v3  }
0x4d: {  	[tilespmem:s14], [sflag:$0x1] =	stream.indirect_vreg.gather [hbm4b:s5+s2], $0x80, v4, vm0, $0xb8;
	[tilespmem:$0x10080] =	vst v63  }
0x4e: {  	_ = 	snop  }
0x4f: {  	[tilespmem:s15], [sflag:$0x1] =	stream.indirect_vreg.gather [hbm4b:s6+s2], $0x80, v4, vm0, $0xb8;
	[tilespmem:$0x10080] =	vst v63  }
0x50: {  	_ = 	snop  }
0x51: {  	[tilespmem:s16], [sflag:$0x1] =	stream.indirect_vreg.gather [hbm4b:s3+s2], $0x80, v3, vm0, $0xb8;
	[tilespmem:$0x10080] =	vst v63  }
0x52: {  	_ = 	snop  }
0x53: {  	[tilespmem:s17], [sflag:$0x1] =	stream.indirect_vreg.gather [hbm4b:s4+s2], $0x80, v3, vm0, $0xb8;
	[tilespmem:$0x10080] =	vst v63  }
0x54: {  	_ = 	snop  }
0x55: {  	[tilespmem:s9], [sflag:$0x1] =	stream.indirect_vreg.gather [hbm4b:s5+s2], $0x80, v3, vm0, $0xb8;
	[tilespmem:$0x10080] =	vst v63  }
0x56: {  	s19 =	simm.s32 $0xB880  }
0x57: {  	[tilespmem:s19], [sflag:$0x1] =	stream.indirect_vreg.gather [hbm4b:s6+s2], $0x80, v3, vm0, $0xb8;
	[tilespmem:$0x10080] =	vst v63  }
0x58: {  	v3 =	vld [tilespmem:$0x30];
	_ =	sdelay $0x4  }
0x59: {  	v59 =	vshll.u32 v3, $0x3  }
0x5a: {  	v3 =	vand.u32 $0x7, v3;
	v4 =	vand.u32 $0xFFFFFFC0, v59  }
0x5b: {  	v3 =	vor.u32 v3, v4  }
0x5c: {  	v4 =	vperm.xlane v3, v0;
	_ =	sdelay $0x1  }
0x5d: {  	v4 =	vadd.s32 v1, v4;
	_ =	sdelay $0x3  }
0x5e: {  	s19 =	simm.s32 $0xC080  }
0x5f: {  	[tilespmem:s19], [sflag:$0x1] =	stream.indirect_vreg.gather [hbm4b:s3+s2], $0x80, v4, vm0, $0xb8;
	[tilespmem:$0x10080] =	vst v63  }
0x60: {  	v3 =	vperm.xlane v3, v2;
	s19 =	simm.s32 $0xC880  }
0x61: {  	[tilespmem:s19], [sflag:$0x1] =	stream.indirect_vreg.gather [hbm4b:s4+s2], $0x80, v4, vm0, $0xb8;
	[tilespmem:$0x10080] =	vst v63  }
0x62: {  	v3 =	vadd.s32 v1, v3;
	s19 =	simm.s32 $0xD080  }
0x63: {  	[tilespmem:s19], [sflag:$0x1] =	stream.indirect_vreg.gather [hbm4b:s5+s2], $0x80, v4, vm0, $0xb8;
	[tilespmem:$0x10080] =	vst v63  }
0x64: {  	s19 =	simm.s32 $0xD880  }
0x65: {  	[tilespmem:s19], [sflag:$0x1] =	stream.indirect_vreg.gather [hbm4b:s6+s2], $0x80, v4, vm0, $0xb8;
	[tilespmem:$0x10080] =	vst v63  }
0x66: {  	s19 =	simm.s32 $0xE080  }
0x67: {  	[tilespmem:s19], [sflag:$0x1] =	stream.indirect_vreg.gather [hbm4b:s3+s2], $0x80, v3, vm0, $0xb8;
	[tilespmem:$0x10080] =	vst v63  }
0x68: {  	s19 =	simm.s32 $0xE880  }
0x69: {  	[tilespmem:s19], [sflag:$0x1] =	stream.indirect_vreg.gather [hbm4b:s4+s2], $0x80, v3, vm0, $0xb8;
	[tilespmem:$0x10080] =	vst v63  }
0x6a: {  	s19 =	simm.s32 $0xF080  }
0x6b: {  	[tilespmem:s19], [sflag:$0x1] =	stream.indirect_vreg.gather [hbm4b:s5+s2], $0x80, v3, vm0, $0xb8;
	[tilespmem:$0x10080] =	vst v63  }
0x6c: {  	s19 =	simm.s32 $0xF880  }
0x6d: {  	[tilespmem:s19], [sflag:$0x1] =	stream.indirect_vreg.gather [hbm4b:s6+s2], $0x80, v3, vm0, $0xb8;
	[tilespmem:$0x10080] =	vst v63  }
0x6e: {  	_ =	swait.ge [sflag:s18], $0x10000  }
0x6f: {  	[sflag:s18] =	ssyncset.done $0x0  }
0x70: {  	s19 =	rddreg [dreg:$0x4];
	[sflag:s18] =	ssyncadd.s32 $0xFFFF0000  }
0x71: {  	[hbm4b:s19+s2] =	stream.linear.scatter [tilespmem:s0], [sflag:$0x2], $0x10000, $0x38;
	[tilespmem:$0x10080] =	vst v63  }
0x72: {  	_ =	swait.ge [sflag:s8], $0x10000  }
0x73: {  	[sflag:s8] =	ssyncset.done $0x0  }
0x74: {  	s19 =	rddreg [dreg:$0x5];
	[sflag:s8] =	ssyncadd.s32 $0xFFFF0000  }
0x75: {  	[tilespmem:s2], [sflag:$0x2] =	stream.linear.gather [hbm4b:s19+s2], $0x40, $0x38;
	[tilespmem:$0x10080] =	vst v63  }
0x76: {  	_ =	swait.ge [sflag:s8], $0x40  }
0x77: {  	[sflag:s8] =	ssyncset.done $0x0  }
0x78: {  	[sflag:s8] =	ssyncadd.s32 $0xFFFFFFC0  }
0x79: {  	v3 =	vld [tilespmem:$0x0];
	_ =	sdelay $0x4  }
0x7a: {  	v60 =	vshll.u32 v3, $0x3  }
0x7b: {  	v3 =	vand.u32 $0x7, v3;
	v4 =	vand.u32 $0xFFFFFFC0, v60  }
0x7c: {  	v3 =	vor.u32 v3, v4  }
0x7d: {  	v4 =	vperm.xlane v3, v0;
	_ =	sdelay $0x1  }
0x7e: {  	v4 =	vadd.s32 v1, v4;
	_ =	sdelay $0x4  }
0x7f: {  	[tilespmem:s0], [sflag:$0x1] =	stream.indirect_vreg.gather [hbm4b:s3+s2], $0x80, v4, vm0, $0xb8;
	[tilespmem:$0x10080] =	vst v63  }
0x80: {  	v3 =	vperm.xlane v3, v2  }
0x81: {  	[tilespmem:s20], [sflag:$0x1] =	stream.indirect_vreg.gather [hbm4b:s4+s2], $0x80, v4, vm0, $0xb8;
	[tilespmem:$0x10080] =	vst v63  }
0x82: {  	v3 =	vadd.s32 v1, v3  }
0x83: {  	[tilespmem:s21], [sflag:$0x1] =	stream.indirect_vreg.gather [hbm4b:s5+s2], $0x80, v4, vm0, $0xb8;
	[tilespmem:$0x10080] =	vst v63  }
0x84: {  	_ = 	snop  }
0x85: {  	[tilespmem:s22], [sflag:$0x1] =	stream.indirect_vreg.gather [hbm4b:s6+s2], $0x80, v4, vm0, $0xb8;
	[tilespmem:$0x10080] =	vst v63  }
0x86: {  	_ = 	snop  }
0x87: {  	[tilespmem:s23], [sflag:$0x1] =	stream.indirect_vreg.gather [hbm4b:s3+s2], $0x80, v3, vm0, $0xb8;
	[tilespmem:$0x10080] =	vst v63  }
0x88: {  	_ = 	snop  }
0x89: {  	[tilespmem:s24], [sflag:$0x1] =	stream.indirect_vreg.gather [hbm4b:s4+s2], $0x80, v3, vm0, $0xb8;
	[tilespmem:$0x10080] =	vst v63  }
0x8a: {  	_ = 	snop  }
0x8b: {  	[tilespmem:s25], [sflag:$0x1] =	stream.indirect_vreg.gather [hbm4b:s5+s2], $0x80, v3, vm0, $0xb8;
	[tilespmem:$0x10080] =	vst v63  }
0x8c: {  	_ = 	snop  }
0x8d: {  	[tilespmem:s26], [sflag:$0x1] =	stream.indirect_vreg.gather [hbm4b:s6+s2], $0x80, v3, vm0, $0xb8;
	[tilespmem:$0x10080] =	vst v63  }
0x8e: {  	v3 =	vld [tilespmem:$0x10];
	_ =	sdelay $0x4  }
0x8f: {  	v61 =	vshll.u32 v3, $0x3  }
0x90: {  	v3 =	vand.u32 $0x7, v3;
	v4 =	vand.u32 $0xFFFFFFC0, v61  }
0x91: {  	v3 =	vor.u32 v3, v4  }
0x92: {  	v4 =	vperm.xlane v3, v0;
	_ =	sdelay $0x1  }
0x93: {  	v4 =	vadd.s32 v1, v4;
	_ =	sdelay $0x4  }
0x94: {  	[tilespmem:s28], [sflag:$0x1] =	stream.indirect_vreg.gather [hbm4b:s3+s2], $0x80, v4, vm0, $0xb8;
	[tilespmem:$0x10080] =	vst v63  }
0x95: {  	v3 =	vperm.xlane v3, v2  }
0x96: {  	[tilespmem:s29], [sflag:$0x1] =	stream.indirect_vreg.gather [hbm4b:s4+s2], $0x80, v4, vm0, $0xb8;
	[tilespmem:$0x10080] =	vst v63  }
0x97: {  	v3 =	vadd.s32 v1, v3  }
0x98: {  	[tilespmem:s30], [sflag:$0x1] =	stream.indirect_vreg.gather [hbm4b:s5+s2], $0x80, v4, vm0, $0xb8;
	[tilespmem:$0x10080] =	vst v63  }
0x99: {  	_ = 	snop  }
0x9a: {  	[tilespmem:s31], [sflag:$0x1] =	stream.indirect_vreg.gather [hbm4b:s6+s2], $0x80, v4, vm0, $0xb8;
	[tilespmem:$0x10080] =	vst v63  }
0x9b: {  	s19 =	simm.s32 $0x6080  }
0x9c: {  	[tilespmem:s19], [sflag:$0x1] =	stream.indirect_vreg.gather [hbm4b:s3+s2], $0x80, v3, vm0, $0xb8;
	[tilespmem:$0x10080] =	vst v63  }
0x9d: {  	_ = 	snop  }
0x9e: {  	[tilespmem:s1], [sflag:$0x1] =	stream.indirect_vreg.gather [hbm4b:s4+s2], $0x80, v3, vm0, $0xb8;
	[tilespmem:$0x10080] =	vst v63  }
0x9f: {  	_ = 	snop  }
0xa0: {  	[tilespmem:s10], [sflag:$0x1] =	stream.indirect_vreg.gather [hbm4b:s5+s2], $0x80, v3, vm0, $0xb8;
	[tilespmem:$0x10080] =	vst v63  }
0xa1: {  	_ = 	snop  }
0xa2: {  	[tilespmem:s11], [sflag:$0x1] =	stream.indirect_vreg.gather [hbm4b:s6+s2], $0x80, v3, vm0, $0xb8;
	[tilespmem:$0x10080] =	vst v63  }
0xa3: {  	v3 =	vld [tilespmem:$0x20];
	_ =	sdelay $0x4  }
0xa4: {  	v62 =	vshll.u32 v3, $0x3  }
0xa5: {  	v3 =	vand.u32 $0x7, v3;
	v4 =	vand.u32 $0xFFFFFFC0, v62  }
0xa6: {  	v3 =	vor.u32 v3, v4  }
0xa7: {  	v4 =	vperm.xlane v3, v0;
	_ =	sdelay $0x1  }
0xa8: {  	v4 =	vadd.s32 v1, v4;
	_ =	sdelay $0x4  }
0xa9: {  	[tilespmem:s12], [sflag:$0x1] =	stream.indirect_vreg.gather [hbm4b:s3+s2], $0x80, v4, vm0, $0xb8;
	[tilespmem:$0x10080] =	vst v63  }
0xaa: {  	v3 =	vperm.xlane v3, v2  }
0xab: {  	[tilespmem:s13], [sflag:$0x1] =	stream.indirect_vreg.gather [hbm4b:s4+s2], $0x80, v4, vm0, $0xb8;
	[tilespmem:$0x10080] =	vst v63  }
0xac: {  	v3 =	vadd.s32 v1, v3  }
0xad: {  	[tilespmem:s14], [sflag:$0x1] =	stream.indirect_vreg.gather [hbm4b:s5+s2], $0x80, v4, vm0, $0xb8;
	[tilespmem:$0x10080] =	vst v63  }
0xae: {  	_ = 	snop  }
0xaf: {  	[tilespmem:s15], [sflag:$0x1] =	stream.indirect_vreg.gather [hbm4b:s6+s2], $0x80, v4, vm0, $0xb8;
	[tilespmem:$0x10080] =	vst v63  }
0xb0: {  	_ = 	snop  }
0xb1: {  	[tilespmem:s16], [sflag:$0x1] =	stream.indirect_vreg.gather [hbm4b:s3+s2], $0x80, v3, vm0, $0xb8;
	[tilespmem:$0x10080] =	vst v63  }
0xb2: {  	_ = 	snop  }
0xb3: {  	[tilespmem:s17], [sflag:$0x1] =	stream.indirect_vreg.gather [hbm4b:s4+s2], $0x80, v3, vm0, $0xb8;
	[tilespmem:$0x10080] =	vst v63  }
0xb4: {  	_ = 	snop  }
0xb5: {  	[tilespmem:s9], [sflag:$0x1] =	stream.indirect_vreg.gather [hbm4b:s5+s2], $0x80, v3, vm0, $0xb8;
	[tilespmem:$0x10080] =	vst v63  }
0xb6: {  	s19 =	simm.s32 $0xB880  }
0xb7: {  	[tilespmem:s19], [sflag:$0x1] =	stream.indirect_vreg.gather [hbm4b:s6+s2], $0x80, v3, vm0, $0xb8;
	[tilespmem:$0x10080] =	vst v63  }
0xb8: {  	v3 =	vld [tilespmem:$0x30];
	_ =	sdelay $0x4  }
0xb9: {  	v63 =	vshll.u32 v3, $0x3  }
0xba: {  	v3 =	vand.u32 $0x7, v3;
	v4 =	vand.u32 $0xFFFFFFC0, v63  }
0xbb: {  	v3 =	vor.u32 v3, v4  }
0xbc: {  	v4 =	vperm.xlane v3, v0;
	_ =	sdelay $0x1  }
0xbd: {  	v4 =	vadd.s32 v1, v4;
	_ =	sdelay $0x3  }
0xbe: {  	s19 =	simm.s32 $0xC080  }
0xbf: {  	[tilespmem:s19], [sflag:$0x1] =	stream.indirect_vreg.gather [hbm4b:s3+s2], $0x80, v4, vm0, $0xb8;
	[tilespmem:$0x10080] =	vst v63  }
0xc0: {  	v3 =	vperm.xlane v3, v2;
	s19 =	simm.s32 $0xC880  }
0xc1: {  	[tilespmem:s19], [sflag:$0x1] =	stream.indirect_vreg.gather [hbm4b:s4+s2], $0x80, v4, vm0, $0xb8;
	[tilespmem:$0x10080] =	vst v63  }
0xc2: {  	v3 =	vadd.s32 v1, v3;
	s19 =	simm.s32 $0xD080  }
0xc3: {  	[tilespmem:s19], [sflag:$0x1] =	stream.indirect_vreg.gather [hbm4b:s5+s2], $0x80, v4, vm0, $0xb8;
	[tilespmem:$0x10080] =	vst v63  }
0xc4: {  	s19 =	simm.s32 $0xD880  }
0xc5: {  	[tilespmem:s19], [sflag:$0x1] =	stream.indirect_vreg.gather [hbm4b:s6+s2], $0x80, v4, vm0, $0xb8;
	[tilespmem:$0x10080] =	vst v63  }
0xc6: {  	s19 =	simm.s32 $0xE080  }
0xc7: {  	[tilespmem:s19], [sflag:$0x1] =	stream.indirect_vreg.gather [hbm4b:s3+s2], $0x80, v3, vm0, $0xb8;
	[tilespmem:$0x10080] =	vst v63  }
0xc8: {  	s19 =	simm.s32 $0xE880  }
0xc9: {  	[tilespmem:s19], [sflag:$0x1] =	stream.indirect_vreg.gather [hbm4b:s4+s2], $0x80, v3, vm0, $0xb8;
	[tilespmem:$0x10080] =	vst v63  }
0xca: {  	s19 =	simm.s32 $0xF080  }
0xcb: {  	[tilespmem:s19], [sflag:$0x1] =	stream.indirect_vreg.gather [hbm4b:s5+s2], $0x80, v3, vm0, $0xb8;
	[tilespmem:$0x10080] =	vst v63  }
0xcc: {  	s19 =	simm.s32 $0xF880  }
0xcd: {  	[tilespmem:s19], [sflag:$0x1] =	stream.indirect_vreg.gather [hbm4b:s6+s2], $0x80, v3, vm0, $0xb8;
	[tilespmem:$0x10080] =	vst v63  }
0xce: {  	_ =	swait.ge [sflag:s18], $0x10000  }
0xcf: {  	p0 =	sne.s32 s7, $0x1;
	[sflag:s18] =	ssyncset.done $0x0  }
.Ltmp0:
0xd0: {  	s1 =	rddreg [dreg:$0x6];
	[sflag:s18] =	ssyncadd.s32 $0xFFFF0000;
	(pc) =	sbr.rel @p0 .LBB2_1-.Ltmp0, $4  }
0xd1: {  	[hbm4b:s1+s2] =	stream.linear.scatter [tilespmem:s0], [sflag:$0x2], $0x10000, $0x38;
	[tilespmem:$0x10080] =	vst v63  }
0xd2: {  	_ =	swait.ge [sflag:s8], $0x10000  }
0xd3: {  	[sflag:s8] =	ssyncset.done $0x0  }
0xd4: {  	s7 =	sadd.s32 $0xFFFFFFFF, s7;
	[sflag:s8] =	ssyncadd.s32 $0xFFFF0000  }
0xd5: {  	_ =	sfence.sel $0x180000  }
0xd6: {  	[bflag:$0x0] =	sbarrier.arrive $0xFFFF  }
0xd7: {  	_ =	strace $0x9000004A  }
0xd8: {  	s0 =	stileid.u32;
	[bflag:$0x2] =	sbarrier.arrive $0xFFFF  }
0xd9: {  	p0 =	sne.s32 s0, $0x0;
	s0 =	rddreg [dreg:$0x2]  }
0xda: {  	s0 =	sadd.s32 @!p0 $0x100000, s0  }
0xdb: {  	[sflag:s0] =	ssyncadd.tile.s32 @!p0 $0x1;
	_ =	shalt  }
.Lfunc_end2:
_tile_overlayer_lowered:
.L_overlay_start_2:
0xdc: {  	(tag) =	ssettag $0x2  }
0xdd: {  	s0 =	rddreg [dreg:$0x0];
	s2 =	stileid.u32  }
0xde: {  	s1 =	rddreg [dreg:$0x1];
	p0 =	sne.s32 s2, $0x0  }
0xdf: {  	s3 =	rddreg [dreg:$0x2];
	[bflag:$0x3] =	sbarrier.arrive $0xFFFF;
	s2 =	simm.s32 @!p0 $0x1C02  }
0xe0: {  	[timem:s3], [sflag:s2] =	dma.local @!p0 [hbm:s0], s1  }
0xe1: {  	s0 =	simm.s32 @!p0 $0x2  }
0xe2: {  	_ =	swait.ge @!p0 [sflag:s0], s1  }
0xe3: {  	s1 =	ssub.s32 @!p0 $0x0, s1;
	[sflag:s0] =	ssyncset.done @!p0 $0x0  }
0xe4: {  	[sflag:s0] =	ssyncadd.s32 @!p0 s1  }
0xe5: {  	[bflag:$0x3] =	sbarrier.arrive $0xFFFF  }
0xe6: {  	_ =	shalt  }

// kernel: kernel.7.cloned.1.call-start
scs
__scs_entry_jumppad:
0x0: {  	(pc) =	sbr.rel $0x88, $3  }
0x1: {  	(tag) =	ssettag $0x0;
	lr =	simm.s32 $0x1  }
0x2: {  	[smem:$0x3F9C] =	sst lr;
	_ =	strace $0xD0000000  }
0x3: {  	_ = 	snop  }
0x4: {  	_ = 	snop  }
0x5: {  	_ = 	snop  }
0x6: {  	_ = 	snop  }
0x7: {  	_ = 	snop  }
__scs_overlays_trampoline_lowered:
0x8: {  	[smem:$0x3FAB] =	sst s0  }
0x9: {  	[smem:$0x3FAC] =	sst s1  }
0xa: {  	[smem:$0x3FAD] =	sst s2  }
0xb: {  	[smem:$0x3FAE] =	sst s3  }
0xc: {  	[smem:$0x3FAF] =	sst s4  }
0xd: {  	[smem:$0x3FB0] =	sst s5  }
0xe: {  	[smem:$0x3FB1] =	sst s6  }
0xf: {  	[smem:$0x3FB2] =	sst s7  }
0x10: {  	[smem:$0x3FB3] =	sst s8  }
0x11: {  	[smem:$0x3FB4] =	sst s9;
	s0 =	simm.s32 @!p0 $0x0  }
0x12: {  	s1 =	sld [smem:$0x3F9A];
	s0 =	simm.s32 @p0 $0x1  }
0x13: {  	[smem:$0x3FB5] =	sst s0;
	s0 =	simm.s32 @!p1 $0x0  }
0x14: {  	s2 =	sld [smem:$0x3F99];
	s0 =	simm.s32 @p1 $0x1  }
0x15: {  	[smem:$0x3FB6] =	sst s0;
	s0 =	simm.s32 @!p2 $0x0  }
0x16: {  	s3 =	sld [smem:$0x3FDB];
	s0 =	simm.s32 @p2 $0x1  }
0x17: {  	s4 =	simm.s32 $0x1BF5;
	[smem:$0x3FB8] =	sst s0  }
0x18: {  	s0 =	sld [smem:$0x3F9B];
	_ =	swait.ge [sflag:s4], $0x0  }
0x19: {  	s7 =	sld [smem:$0x3F9C]  }
0x1a: {  	s8 =	sadd.s32 $0xFFFFE003, lr  }
0x1b: {  	s9 =	sadd.s32 $0xFFFFFEF7, lr;
	s5 =	simm.s32 $0xFFFFFFFF;
	p2 =	slt.u32 s8, $0xFFFFF086  }
0x1c: {  	p1 =	slt.u32 s9, $0xF7A;
	s5 =	simm.s32 @!p2 $0x0  }
0x1d: {  	s5 =	simm.s32 @p1 $0x1;
	p0 =	seq.s32 s7, s2  }
0x1e: {  	s7 =	smul.u32 @!p0 $0xF7A, s2;
	p2 =	seq.s32 @!p0 s5, $0x0  }
0x1f: {  	s9 =	smul.u32 $0xF7A, s1;
	s8 =	simm.s32 @!p0 $0x1BF5;
	p2 =	por !p2, p0  }
0x20: {  	[sflag:s8] =	ssyncset.s32 @!p0 $0xFFFFF086;
	s6 =	sadd.s32 @!p0 s3, s7;
	s7 =	simm.s32 @!p0 $0x108  }
0x21: {  	s3 =	sadd.s32 s3, s9;
	s6 =	sadd.s32 @!p0 $0x88, s6;
	s7 =	simm.s32 @p2 $0x1082  }
0x22: {  	[simem:s7], [sflag:s8] =	dma.local @!p0 [hbm:s6], $0xF7A  }
0x23: {  	s9 =	sor.u32 $0xD0000000, s2;
	s6 =	simm.s32 $0x108;
	_ =	swait.ge @!p0 [sflag:s8], $0x0  }
0x24: {  	s3 =	sadd.s32 $0x88, s3;
	s6 =	simm.s32 @!p1 $0x1082;
	[sflag:s4] =	ssyncset.s32 $0xFFFFF086  }
0x25: {  	[simem:s6], [sflag:s4] =	dma.local [hbm:s3], $0xF7A  }
0x26: {  	[smem:$0x3F9C] =	sst s1;
	(tag) =	ssettag s2;
	_ =	strace s9  }
0x27: {  	s1 =	sld [smem:$0x3FAC]  }
0x28: {  	s2 =	sld [smem:$0x3FAD]  }
0x29: {  	s4 =	sld [smem:$0x3FAF]  }
0x2a: {  	p0 =	seq.s32 s5, $0x0;
	s5 =	sld [smem:$0x3FB0]  }
0x2b: {  	s6 =	sld [smem:$0x3FB1]  }
0x2c: {  	s7 =	sld [smem:$0x3FB2]  }
0x2d: {  	s3 =	simm.s32 $0x108;
	s8 =	sld [smem:$0x3FB3]  }
0x2e: {  	s3 =	simm.s32 @!p0 $0x1082;
	s9 =	sld [smem:$0x3FB4]  }
0x2f: {  	lr =	sadd.s32 s0, s3;
	s0 =	sld [smem:$0x3FAB]  }
0x30: {  	s3 =	sld [smem:$0x3FAE]  }
0x31: {  	[smem:$0x3FB7] =	sst s10  }
0x32: {  	s10 =	sld [smem:$0x3FB5];
	_ =	sdelay $0x3  }
0x33: {  	p0 =	seq.s32 s10, $0x1;
	s10 =	sld [smem:$0x3FB7];
	_ =	sdelay $0x3  }
0x34: {  	[smem:$0x3FB7] =	sst s10  }
0x35: {  	s10 =	sld [smem:$0x3FB6];
	_ =	sdelay $0x3  }
0x36: {  	p1 =	seq.s32 s10, $0x1;
	s10 =	sld [smem:$0x3FB7];
	_ =	sdelay $0x3  }
0x37: {  	[smem:$0x3FB7] =	sst s10  }
0x38: {  	s10 =	sld [smem:$0x3FB8]  }
0x39: {  	_ = 	snop;
	(pc) =	sbr.ind lr, $3  }
0x3a: {  	_ = 	snop  }
0x3b: {  	_ = 	snop  }
0x3c: {  	p2 =	seq.s32 s10, $0x1;
	s10 =	sld [smem:$0x3FB7]  }
0x3d: {  	_ =	shalt  }
0x3e: {  	_ =	shalt  }
0x3f: {  	_ =	shalt  }
0x40: {  	_ =	shalt  }
0x41: {  	_ =	shalt  }
0x42: {  	_ =	shalt  }
0x43: {  	_ =	shalt  }
0x44: {  	_ =	shalt  }
0x45: {  	_ =	shalt  }
0x46: {  	_ =	shalt  }
0x47: {  	_ =	shalt  }
0x48: {  	_ =	shalt  }
0x49: {  	_ =	shalt  }
0x4a: {  	_ =	shalt  }
0x4b: {  	_ =	shalt  }
0x4c: {  	_ =	shalt  }
0x4d: {  	_ =	shalt  }
0x4e: {  	_ =	shalt  }
0x4f: {  	_ =	shalt  }
0x50: {  	_ =	shalt  }
0x51: {  	_ =	shalt  }
0x52: {  	_ =	shalt  }
0x53: {  	_ =	shalt  }
0x54: {  	_ =	shalt  }
0x55: {  	_ =	shalt  }
0x56: {  	_ =	shalt  }
0x57: {  	_ =	shalt  }
0x58: {  	_ =	shalt  }
0x59: {  	_ =	shalt  }
0x5a: {  	_ =	shalt  }
0x5b: {  	_ =	shalt  }
0x5c: {  	_ =	shalt  }
0x5d: {  	_ =	shalt  }
0x5e: {  	_ =	shalt  }
0x5f: {  	_ =	shalt  }
0x60: {  	_ =	shalt  }
0x61: {  	_ =	shalt  }
0x62: {  	_ =	shalt  }
0x63: {  	_ =	shalt  }
0x64: {  	_ =	shalt  }
0x65: {  	_ =	shalt  }
0x66: {  	_ =	shalt  }
0x67: {  	_ =	shalt  }
0x68: {  	_ =	shalt  }
0x69: {  	_ =	shalt  }
0x6a: {  	_ =	shalt  }
0x6b: {  	_ =	shalt  }
0x6c: {  	_ =	shalt  }
0x6d: {  	_ =	shalt  }
0x6e: {  	_ =	shalt  }
0x6f: {  	_ =	shalt  }
0x70: {  	_ =	shalt  }
0x71: {  	_ =	shalt  }
0x72: {  	_ =	shalt  }
0x73: {  	_ =	shalt  }
0x74: {  	_ =	shalt  }
0x75: {  	_ =	shalt  }
0x76: {  	_ =	shalt  }
0x77: {  	_ =	shalt  }
0x78: {  	_ =	shalt  }
0x79: {  	_ =	shalt  }
0x7a: {  	_ =	shalt  }
0x7b: {  	_ =	shalt  }
0x7c: {  	_ =	shalt  }
0x7d: {  	_ =	shalt  }
0x7e: {  	_ =	shalt  }
0x7f: {  	_ =	shalt  }
0x80: {  	_ =	shalt  }
0x81: {  	_ =	shalt  }
0x82: {  	_ =	shalt  }
0x83: {  	_ =	shalt  }
0x84: {  	_ =	shalt  }
0x85: {  	_ =	shalt  }
0x86: {  	_ =	shalt  }
0x87: {  	_ =	shalt  }
.Lfunc_end0:
.L_simem_size_0:
called_computation_lowered:
.L_overlay_start_0:
0x88: {  	s2 =	sld [smem:$0x3FD9]  }
0x89: {  	s3 =	sld [smem:$0x3FFE];
	_ =	sdelay $0x1  }
0x8a: {  	s1 =	srdreg.scid  }
0x8b: {  	s0 =	sand.u32 $0x1, s1  }
0x8c: {  	s17 =	sshll.u32 s0, $0xA;
	s2 =	sadd.s32 s3, s2  }
0x8d: {  	s2 =	sadd.s32 s2, s17  }
0x8e: {  	[smem:$0x3FC3] =	sst s2  }
0x8f: {  	_ = 	snop  }
0x90: {  	s2 =	sld [smem:$0x3FC9];
	(tm) =	ssettm $0x1  }
0x91: {  	s18 =	sld [smem:$0x3FFB];
	_ =	sdelay $0x3  }
0x92: {  	_ =	strace s18  }
0x93: {  	s3 =	sld [smem:$0x3FFC];
	_ =	sdelay $0x3  }
0x94: {  	_ =	strace s3  }
0x95: {  	s3 =	sld [smem:$0x3FFD];
	_ =	sdelay $0x3  }
0x96: {  	_ =	strace s3  }
0x97: {  	_ =	strace $0x8FFFFFFF  }
0x98: {  	s19 =	sld [smem:$0x3FDB];
	_ =	sdelay $0x1  }
0x99: {  	s4 =	simm.s32 $_scs_section_size  }
0x9a: {  	s5 =	simm.s32 $_size__tile_overlayer_lowered;
	s6 =	simm.s32 $_tile_overlayer_lowered  }
0x9b: {  	s22 =	simm.s32 $0x1BFF;
	s21 =	sshll.u32 s6, $0x1;
	s3 =	sadd.s32 s4, s19  }
0x9c: {  	s7 =	simm.s32 $0x0;
	s20 =	sshll.u32 s5, $0x1;
	s5 =	sadd.s32 s21, s3  }
0x9d: {  	[timem:s7], [sflag:s22] =	dma.local [hbm:s5], s20  }
0x9e: {  	_ =	swait.ge [sflag:s22], s20  }
0x9f: {  	s4 =	ssub.s32 $0x0, s20;
	[sflag:s22] =	ssyncset.done $0x0  }
0xa0: {  	[sflag:s22] =	ssyncadd.s32 s4;
	_ =	sdelay $0x1  }
0xa1: {  	s23 =	simm.s32 $0x1B8B  }
0xa2: {  	_ =	swait.ge [sflag:s23], $0x1  }
0xa3: {  	[sflag:s23] =	ssyncset.done $0x0  }
0xa4: {  	s25 =	simm.s32 $0x1B8E;
	s24 =	sld [smem:$0x3FFE];
	[sflag:s23] =	ssyncadd.s32 $0xFFFFFFFF  }
0xa5: {  	s26 =	simm.s32 $execute0_lowered;
	[smem:$0x3FD2] =	sst s25  }
0xa6: {  	s5 =	sshll.u32 s26, $0x1;
	_ =	strace $0x80000046;
	[dreg:$0x1] =	wrdreg $0xFFFFFFFF  }
0xa7: {  	s28 =	simm.s32 $_size_execute0_lowered;
	s3 =	sadd.s32 s3, s5;
	[dreg:$0x0] =	wrdreg $0x0  }
0xa8: {  	s5 =	sshll.u32 s28, $0x1;
	[dreg:$0x2] =	wrdreg s3  }
0xa9: {  	[dreg:$0x3] =	wrdreg s5  }
0xaa: {  	[dreg:$0x4] =	wrdreg $0xC0  }
0xab: {  	_ =	task [dreg:s7], $0x5FFFF  }
0xac: {  	[dreg:$0x1] =	wrdreg $0xFFFFFFFF  }
0xad: {  	[dreg:$0x0] =	wrdreg $0x60  }
0xae: {  	[dreg:$0x2] =	wrdreg s2  }
0xaf: {  	[dreg:$0x3] =	wrdreg s24  }
0xb0: {  	[dreg:$0x4] =	wrdreg $0x9  }
0xb1: {  	_ =	task.clear_ibuf [dreg:s7], $0x5FFFF;
	_ =	strace $0x90000046  }
0xb2: {  	s29 =	simm.s32 $0x9;
	_ =	strace $0x80000048  }
0xb3: {  	_ =	swait.ge [sflag:s29], $0x1  }
0xb4: {  	[sflag:s29] =	ssyncadd.s32 $0xFFFFFFFF  }
0xb5: {  	_ =	strace $0x90000048  }
0xb6: {  	_ =	sfence  }
0xb7: {  	s30 =	sld [smem:$0x0];
	_ =	sdelay $0x2  }
0xb8: {  	s31 =	sshll.u32 s1, $0xD;
	s1 =	sshrl.u32 s1, $0x2  }
0xb9: {  	s3 =	sand.u32 $0x4000, s31;
	s1 =	sadd.s32 s1, s30  }
0xba: {  	s0 =	sor.u32 s3, s0;
	s1 =	sshll.u32 s1, $0x11  }
0xbb: {  	s0 =	sor.u32 s1, s0  }
0xbc: {  	s0 =	sadd.s32 $0x8F2B, s0  }
0xbd: {  	[sflag:s0] =	ssyncadd.remote.s32 $0x1  }
0xbe: {  	_ =	sfence.sel $0xFFFF  }
0xbf: {  	[dreg:$0x0] =	wrdreg $0xFFFFFFFF;
	(pc) =	sbr.abs _section_cstart, $3  }
0xc0: {  	[dreg:$0x1] =	wrdreg $0xFFFFFFFF  }
0xc1: {  	_ =	task.clear_ibuf [dreg:s7], $0x2FFFF;
	_ =	strace $0x9FFFFFFF  }
0xc2: {  	(tm) =	ssettm $0x7FFFFFFF  }
0xc3: {  	_ =	shalt  }
tec
execute0_lowered:
.L_overlay_start_1:
0x0: {  	(tag) =	ssettag $0x1  }
0x1: {  	s0 =	srdreg.scid;
	s1 =	rddreg [dreg:$0x0]  }
0x2: {  	s2 =	stileid.u32;
	s6 =	rddreg [dreg:$0x1];
	s9 =	simm.s32 $0x2  }
0x3: {  	s18 =	simm.s32 $0x1;
	s20 =	simm.s32 $0x880;
	s21 =	simm.s32 $0x1080  }
0x4: {  	s22 =	simm.s32 $0x1880;
	s28 =	simm.s32 $0x4080;
	s29 =	simm.s32 $0x4880  }
0x5: {  	s30 =	simm.s32 $0x5080;
	s31 =	simm.s32 $0x5880;
	s10 =	simm.s32 $0x7080  }
0x6: {  	s11 =	simm.s32 $0x7880;
	s12 =	simm.s32 $0x8080;
	s13 =	simm.s32 $0x8880  }
0x7: {  	s14 =	simm.s32 $0x9080;
	s15 =	simm.s32 $0x9880;
	s16 =	simm.s32 $0xA080  }
0x8: {  	s17 =	simm.s32 $0xA880;
	s0 =	sand.u32 $0x1, s0;
	s3 =	sshll.u32 s2, $0x7  }
0x9: {  	s2 =	simm.s32 $0x0;
	s5 =	sadd.s32 $0x11200, s6;
	s4 =	sshll.u32 s0, $0x6  }
0xa: {  	[smem:$0x7FF] =	sst s2;
	s0 =	ssub.s32 $0x2, s0;
	s3 =	sor.u32 s4, s3  }
0xb: {  	_ =	strace $0x80000047;
	s24 =	sshrl.u32 s0, $0x1;
	s4 =	sshrl.u32 s3, $0x3  }
0xc: {  	s23 =	sshll.u32 s3, $0x7;
	s3 =	sadd.s32 $0x11000, s6;
	s0 =	ssub.s32 s0, s24  }
0xd: {  	s24 =	simm.s32 $0x2880;
	s7 =	sadd.s32 s4, s6;
	s1 =	sadd.s32 s1, s23  }
0xe: {  	s4 =	sadd.s32 $0x11100, s6;
	s6 =	sadd.s32 $0x11300, s6;
	s23 =	simm.s32 $0x2080  }
0xf: {  	v2 =	vlaneseq.u32;
	[dreg:$0x3] =	wrdreg s1;
	s25 =	sadd.s32 $0x10E00, s7;
	s26 =	sadd.s32 $0x10C00, s7  }
0x10: {  	vm0 =	vmmov $0xffff;
	v1 =	vshrl.u32 v2, $0x3;
	s7 =	smax.u32 s0, $0x1;
	s1 =	simm.s32 $0x6080;
	[dreg:$0x4] =	wrdreg s25  }
0x11: {  	v0 =	vand.u32 $0x7, v2;
	v2 =	vor.u32 $0x8, v2;
	v1 =	vmul.u32 $0x8, v1;
	[dreg:$0x5] =	wrdreg s26;
	s25 =	simm.s32 $0x3080;
	s26 =	simm.s32 $0x3880  }
.LBB2_1:
0x12: {  	s19 =	rddreg [dreg:$0x3];
	s0 =	simm.s32 $0x80  }
0x13: {  	[tilespmem:s0], [sflag:$0x2] =	stream.linear.gather [hbm4b:s19+s2], $0x10000, $0x38;
	[tilespmem:$0x10080] =	vst v63  }
0x14: {  	_ =	swait.ge [sflag:s9], $0x10000  }
0x15: {  	[sflag:s9] =	ssyncset.done $0x0  }
0x16: {  	s8 =	rddreg [dreg:$0x4];
	[sflag:s9] =	ssyncadd.s32 $0xFFFF0000  }
0x17: {  	[tilespmem:s2], [sflag:$0x2] =	stream.linear.gather [hbm4b:s8+s2], $0x40, $0x38;
	[tilespmem:$0x10080] =	vst v63  }
0x18: {  	_ =	swait.ge [sflag:s9], $0x40  }
0x19: {  	[sflag:s9] =	ssyncset.done $0x0  }
0x1a: {  	[sflag:s9] =	ssyncadd.s32 $0xFFFFFFC0  }
0x1b: {  	v3 =	vld [tilespmem:$0x0];
	_ =	sdelay $0x4  }
0x1c: {  	v4 =	vshll.u32 v3, $0x3  }
0x1d: {  	v3 =	vand.u32 $0x7, v3;
	v4 =	vand.u32 $0xFFFFFFC0, v4  }
0x1e: {  	v3 =	vor.u32 v3, v4  }
0x1f: {  	v4 =	vperm.xlane v3, v0;
	_ =	sdelay $0x1  }
0x20: {  	v4 =	vadd.s32 v1, v4;
	_ =	sdelay $0x4  }
0x21: {  	[hbm4b:s3+s2] =	stream.indirect_vreg.scatter [tilespmem:s0], [sflag:$0x1], $0x80, v4, vm0, $0xb8;
	[tilespmem:$0x10080] =	vst v63  }
0x22: {  	v3 =	vperm.xlane v3, v2  }
0x23: {  	[hbm4b:s4+s2] =	stream.indirect_vreg.scatter [tilespmem:s20], [sflag:$0x1], $0x80, v4, vm0, $0xb8;
	[tilespmem:$0x10080] =	vst v63  }
0x24: {  	v3 =	vadd.s32 v1, v3  }
0x25: {  	[hbm4b:s5+s2] =	stream.indirect_vreg.scatter [tilespmem:s21], [sflag:$0x1], $0x80, v4, vm0, $0xb8;
	[tilespmem:$0x10080] =	vst v63  }
0x26: {  	_ = 	snop  }
0x27: {  	[hbm4b:s6+s2] =	stream.indirect_vreg.scatter [tilespmem:s22], [sflag:$0x1], $0x80, v4, vm0, $0xb8;
	[tilespmem:$0x10080] =	vst v63  }
0x28: {  	_ = 	snop  }
0x29: {  	[hbm4b:s3+s2] =	stream.indirect_vreg.scatter [tilespmem:s23], [sflag:$0x1], $0x80, v3, vm0, $0xb8;
	[tilespmem:$0x10080] =	vst v63  }
0x2a: {  	_ = 	snop  }
0x2b: {  	[hbm4b:s4+s2] =	stream.indirect_vreg.scatter [tilespmem:s24], [sflag:$0x1], $0x80, v3, vm0, $0xb8;
	[tilespmem:$0x10080] =	vst v63  }
0x2c: {  	_ = 	snop  }
0x2d: {  	[hbm4b:s5+s2] =	stream.indirect_vreg.scatter [tilespmem:s25], [sflag:$0x1], $0x80, v3, vm0, $0xb8;
	[tilespmem:$0x10080] =	vst v63  }
0x2e: {  	_ = 	snop  }
0x2f: {  	[hbm4b:s6+s2] =	stream.indirect_vreg.scatter [tilespmem:s26], [sflag:$0x1], $0x80, v3, vm0, $0xb8;
	[tilespmem:$0x10080] =	vst v63  }
0x30: {  	v3 =	vld [tilespmem:$0x10];
	_ =	sdelay $0x4  }
0x31: {  	v57 =	vshll.u32 v3, $0x3  }
0x32: {  	v3 =	vand.u32 $0x7, v3;
	v4 =	vand.u32 $0xFFFFFFC0, v57  }
0x33: {  	v3 =	vor.u32 v3, v4  }
0x34: {  	v4 =	vperm.xlane v3, v0;
	_ =	sdelay $0x1  }
0x35: {  	v4 =	vadd.s32 v1, v4;
	_ =	sdelay $0x4  }
0x36: {  	[hbm4b:s3+s2] =	stream.indirect_vreg.scatter [tilespmem:s28], [sflag:$0x1], $0x80, v4, vm0, $0xb8;
	[tilespmem:$0x10080] =	vst v63  }
0x37: {  	v3 =	vperm.xlane v3, v2  }
0x38: {  	[hbm4b:s4+s2] =	stream.indirect_vreg.scatter [tilespmem:s29], [sflag:$0x1], $0x80, v4, vm0, $0xb8;
	[tilespmem:$0x10080] =	vst v63  }
0x39: {  	v3 =	vadd.s32 v1, v3  }
0x3a: {  	[hbm4b:s5+s2] =	stream.indirect_vreg.scatter [tilespmem:s30], [sflag:$0x1], $0x80, v4, vm0, $0xb8;
	[tilespmem:$0x10080] =	vst v63  }
0x3b: {  	_ = 	snop  }
0x3c: {  	[hbm4b:s6+s2] =	stream.indirect_vreg.scatter [tilespmem:s31], [sflag:$0x1], $0x80, v4, vm0, $0xb8;
	[tilespmem:$0x10080] =	vst v63  }
0x3d: {  	_ = 	snop  }
0x3e: {  	[hbm4b:s3+s2] =	stream.indirect_vreg.scatter [tilespmem:s1], [sflag:$0x1], $0x80, v3, vm0, $0xb8;
	[tilespmem:$0x10080] =	vst v63  }
0x3f: {  	s8 =	simm.s32 $0x6880  }
0x40: {  	[hbm4b:s4+s2] =	stream.indirect_vreg.scatter [tilespmem:s8], [sflag:$0x1], $0x80, v3, vm0, $0xb8;
	[tilespmem:$0x10080] =	vst v63  }
0x41: {  	_ = 	snop  }
0x42: {  	[hbm4b:s5+s2] =	stream.indirect_vreg.scatter [tilespmem:s10], [sflag:$0x1], $0x80, v3, vm0, $0xb8;
	[tilespmem:$0x10080] =	vst v63  }
0x43: {  	_ = 	snop  }
0x44: {  	[hbm4b:s6+s2] =	stream.indirect_vreg.scatter [tilespmem:s11], [sflag:$0x1], $0x80, v3, vm0, $0xb8;
	[tilespmem:$0x10080] =	vst v63  }
0x45: {  	v3 =	vld [tilespmem:$0x20];
	_ =	sdelay $0x4  }
0x46: {  	v58 =	vshll.u32 v3, $0x3  }
0x47: {  	v3 =	vand.u32 $0x7, v3;
	v4 =	vand.u32 $0xFFFFFFC0, v58  }
0x48: {  	v3 =	vor.u32 v3, v4  }
0x49: {  	v4 =	vperm.xlane v3, v0;
	_ =	sdelay $0x1  }
0x4a: {  	v4 =	vadd.s32 v1, v4;
	_ =	sdelay $0x4  }
0x4b: {  	[hbm4b:s3+s2] =	stream.indirect_vreg.scatter [tilespmem:s12], [sflag:$0x1], $0x80, v4, vm0, $0xb8;
	[tilespmem:$0x10080] =	vst v63  }
0x4c: {  	v3 =	vperm.xlane v3, v2  }
0x4d: {  	[hbm4b:s4+s2] =	stream.indirect_vreg.scatter [tilespmem:s13], [sflag:$0x1], $0x80, v4, vm0, $0xb8;
	[tilespmem:$0x10080] =	vst v63  }
0x4e: {  	v3 =	vadd.s32 v1, v3  }
0x4f: {  	[hbm4b:s5+s2] =	stream.indirect_vreg.scatter [tilespmem:s14], [sflag:$0x1], $0x80, v4, vm0, $0xb8;
	[tilespmem:$0x10080] =	vst v63  }
0x50: {  	_ = 	snop  }
0x51: {  	[hbm4b:s6+s2] =	stream.indirect_vreg.scatter [tilespmem:s15], [sflag:$0x1], $0x80, v4, vm0, $0xb8;
	[tilespmem:$0x10080] =	vst v63  }
0x52: {  	_ = 	snop  }
0x53: {  	[hbm4b:s3+s2] =	stream.indirect_vreg.scatter [tilespmem:s16], [sflag:$0x1], $0x80, v3, vm0, $0xb8;
	[tilespmem:$0x10080] =	vst v63  }
0x54: {  	_ = 	snop  }
0x55: {  	[hbm4b:s4+s2] =	stream.indirect_vreg.scatter [tilespmem:s17], [sflag:$0x1], $0x80, v3, vm0, $0xb8;
	[tilespmem:$0x10080] =	vst v63  }
0x56: {  	s8 =	simm.s32 $0xB080  }
0x57: {  	[hbm4b:s5+s2] =	stream.indirect_vreg.scatter [tilespmem:s8], [sflag:$0x1], $0x80, v3, vm0, $0xb8;
	[tilespmem:$0x10080] =	vst v63  }
0x58: {  	s19 =	simm.s32 $0xB880  }
0x59: {  	[hbm4b:s6+s2] =	stream.indirect_vreg.scatter [tilespmem:s19], [sflag:$0x1], $0x80, v3, vm0, $0xb8;
	[tilespmem:$0x10080] =	vst v63  }
0x5a: {  	v3 =	vld [tilespmem:$0x30];
	_ =	sdelay $0x4  }
0x5b: {  	v59 =	vshll.u32 v3, $0x3  }
0x5c: {  	v3 =	vand.u32 $0x7, v3;
	v4 =	vand.u32 $0xFFFFFFC0, v59  }
0x5d: {  	v3 =	vor.u32 v3, v4  }
0x5e: {  	v4 =	vperm.xlane v3, v0;
	_ =	sdelay $0x1  }
0x5f: {  	v4 =	vadd.s32 v1, v4;
	_ =	sdelay $0x3  }
0x60: {  	s19 =	simm.s32 $0xC080  }
0x61: {  	[hbm4b:s3+s2] =	stream.indirect_vreg.scatter [tilespmem:s19], [sflag:$0x1], $0x80, v4, vm0, $0xb8;
	[tilespmem:$0x10080] =	vst v63  }
0x62: {  	v3 =	vperm.xlane v3, v2;
	s19 =	simm.s32 $0xC880  }
0x63: {  	[hbm4b:s4+s2] =	stream.indirect_vreg.scatter [tilespmem:s19], [sflag:$0x1], $0x80, v4, vm0, $0xb8;
	[tilespmem:$0x10080] =	vst v63  }
0x64: {  	v3 =	vadd.s32 v1, v3;
	s19 =	simm.s32 $0xD080  }
0x65: {  	[hbm4b:s5+s2] =	stream.indirect_vreg.scatter [tilespmem:s19], [sflag:$0x1], $0x80, v4, vm0, $0xb8;
	[tilespmem:$0x10080] =	vst v63  }
0x66: {  	s19 =	simm.s32 $0xD880  }
0x67: {  	[hbm4b:s6+s2] =	stream.indirect_vreg.scatter [tilespmem:s19], [sflag:$0x1], $0x80, v4, vm0, $0xb8;
	[tilespmem:$0x10080] =	vst v63  }
0x68: {  	s19 =	simm.s32 $0xE080  }
0x69: {  	[hbm4b:s3+s2] =	stream.indirect_vreg.scatter [tilespmem:s19], [sflag:$0x1], $0x80, v3, vm0, $0xb8;
	[tilespmem:$0x10080] =	vst v63  }
0x6a: {  	s19 =	simm.s32 $0xE880  }
0x6b: {  	[hbm4b:s4+s2] =	stream.indirect_vreg.scatter [tilespmem:s19], [sflag:$0x1], $0x80, v3, vm0, $0xb8;
	[tilespmem:$0x10080] =	vst v63  }
0x6c: {  	s19 =	simm.s32 $0xF080  }
0x6d: {  	[hbm4b:s5+s2] =	stream.indirect_vreg.scatter [tilespmem:s19], [sflag:$0x1], $0x80, v3, vm0, $0xb8;
	[tilespmem:$0x10080] =	vst v63  }
0x6e: {  	s19 =	simm.s32 $0xF880  }
0x6f: {  	[hbm4b:s6+s2] =	stream.indirect_vreg.scatter [tilespmem:s19], [sflag:$0x1], $0x80, v3, vm0, $0xb8;
	[tilespmem:$0x10080] =	vst v63  }
0x70: {  	_ =	swait.ge [sflag:s18], $0x10000  }
0x71: {  	[sflag:s18] =	ssyncset.done $0x0  }
0x72: {  	s19 =	rddreg [dreg:$0x5];
	[sflag:s18] =	ssyncadd.s32 $0xFFFF0000  }
0x73: {  	[tilespmem:s2], [sflag:$0x2] =	stream.linear.gather [hbm4b:s19+s2], $0x40, $0x38;
	[tilespmem:$0x10080] =	vst v63  }
0x74: {  	_ =	swait.ge [sflag:s9], $0x40  }
0x75: {  	[sflag:s9] =	ssyncset.done $0x0  }
0x76: {  	[sflag:s9] =	ssyncadd.s32 $0xFFFFFFC0  }
0x77: {  	v3 =	vld [tilespmem:$0x0];
	_ =	sdelay $0x4  }
0x78: {  	v60 =	vshll.u32 v3, $0x3  }
0x79: {  	v3 =	vand.u32 $0x7, v3;
	v4 =	vand.u32 $0xFFFFFFC0, v60  }
0x7a: {  	v3 =	vor.u32 v3, v4  }
0x7b: {  	v4 =	vperm.xlane v3, v0;
	_ =	sdelay $0x1  }
0x7c: {  	v4 =	vadd.s32 v1, v4;
	_ =	sdelay $0x4  }
0x7d: {  	[hbm4b:s3+s2] =	stream.indirect_vreg.scatter [tilespmem:s0], [sflag:$0x1], $0x80, v4, vm0, $0xb8;
	[tilespmem:$0x10080] =	vst v63  }
0x7e: {  	v3 =	vperm.xlane v3, v2  }
0x7f: {  	[hbm4b:s4+s2] =	stream.indirect_vreg.scatter [tilespmem:s20], [sflag:$0x1], $0x80, v4, vm0, $0xb8;
	[tilespmem:$0x10080] =	vst v63  }
0x80: {  	v3 =	vadd.s32 v1, v3  }
0x81: {  	[hbm4b:s5+s2] =	stream.indirect_vreg.scatter [tilespmem:s21], [sflag:$0x1], $0x80, v4, vm0, $0xb8;
	[tilespmem:$0x10080] =	vst v63  }
0x82: {  	_ = 	snop  }
0x83: {  	[hbm4b:s6+s2] =	stream.indirect_vreg.scatter [tilespmem:s22], [sflag:$0x1], $0x80, v4, vm0, $0xb8;
	[tilespmem:$0x10080] =	vst v63  }
0x84: {  	_ = 	snop  }
0x85: {  	[hbm4b:s3+s2] =	stream.indirect_vreg.scatter [tilespmem:s23], [sflag:$0x1], $0x80, v3, vm0, $0xb8;
	[tilespmem:$0x10080] =	vst v63  }
0x86: {  	_ = 	snop  }
0x87: {  	[hbm4b:s4+s2] =	stream.indirect_vreg.scatter [tilespmem:s24], [sflag:$0x1], $0x80, v3, vm0, $0xb8;
	[tilespmem:$0x10080] =	vst v63  }
0x88: {  	_ = 	snop  }
0x89: {  	[hbm4b:s5+s2] =	stream.indirect_vreg.scatter [tilespmem:s25], [sflag:$0x1], $0x80, v3, vm0, $0xb8;
	[tilespmem:$0x10080] =	vst v63  }
0x8a: {  	_ = 	snop  }
0x8b: {  	[hbm4b:s6+s2] =	stream.indirect_vreg.scatter [tilespmem:s26], [sflag:$0x1], $0x80, v3, vm0, $0xb8;
	[tilespmem:$0x10080] =	vst v63  }
0x8c: {  	v3 =	vld [tilespmem:$0x10];
	_ =	sdelay $0x4  }
0x8d: {  	v61 =	vshll.u32 v3, $0x3  }
0x8e: {  	v3 =	vand.u32 $0x7, v3;
	v4 =	vand.u32 $0xFFFFFFC0, v61  }
0x8f: {  	v3 =	vor.u32 v3, v4  }
0x90: {  	v4 =	vperm.xlane v3, v0;
	_ =	sdelay $0x1  }
0x91: {  	v4 =	vadd.s32 v1, v4;
	_ =	sdelay $0x4  }
0x92: {  	[hbm4b:s3+s2] =	stream.indirect_vreg.scatter [tilespmem:s28], [sflag:$0x1], $0x80, v4, vm0, $0xb8;
	[tilespmem:$0x10080] =	vst v63  }
0x93: {  	v3 =	vperm.xlane v3, v2  }
0x94: {  	[hbm4b:s4+s2] =	stream.indirect_vreg.scatter [tilespmem:s29], [sflag:$0x1], $0x80, v4, vm0, $0xb8;
	[tilespmem:$0x10080] =	vst v63  }
0x95: {  	v3 =	vadd.s32 v1, v3  }
0x96: {  	[hbm4b:s5+s2] =	stream.indirect_vreg.scatter [tilespmem:s30], [sflag:$0x1], $0x80, v4, vm0, $0xb8;
	[tilespmem:$0x10080] =	vst v63  }
0x97: {  	_ = 	snop  }
0x98: {  	[hbm4b:s6+s2] =	stream.indirect_vreg.scatter [tilespmem:s31], [sflag:$0x1], $0x80, v4, vm0, $0xb8;
	[tilespmem:$0x10080] =	vst v63  }
0x99: {  	_ = 	snop  }
0x9a: {  	[hbm4b:s3+s2] =	stream.indirect_vreg.scatter [tilespmem:s1], [sflag:$0x1], $0x80, v3, vm0, $0xb8;
	[tilespmem:$0x10080] =	vst v63  }
0x9b: {  	s19 =	simm.s32 $0x6880  }
0x9c: {  	[hbm4b:s4+s2] =	stream.indirect_vreg.scatter [tilespmem:s19], [sflag:$0x1], $0x80, v3, vm0, $0xb8;
	[tilespmem:$0x10080] =	vst v63  }
0x9d: {  	_ = 	snop  }
0x9e: {  	[hbm4b:s5+s2] =	stream.indirect_vreg.scatter [tilespmem:s10], [sflag:$0x1], $0x80, v3, vm0, $0xb8;
	[tilespmem:$0x10080] =	vst v63  }
0x9f: {  	_ = 	snop  }
0xa0: {  	[hbm4b:s6+s2] =	stream.indirect_vreg.scatter [tilespmem:s11], [sflag:$0x1], $0x80, v3, vm0, $0xb8;
	[tilespmem:$0x10080] =	vst v63  }
0xa1: {  	v3 =	vld [tilespmem:$0x20];
	_ =	sdelay $0x4  }
0xa2: {  	v62 =	vshll.u32 v3, $0x3  }
0xa3: {  	v3 =	vand.u32 $0x7, v3;
	v4 =	vand.u32 $0xFFFFFFC0, v62  }
0xa4: {  	v3 =	vor.u32 v3, v4  }
0xa5: {  	v4 =	vperm.xlane v3, v0;
	_ =	sdelay $0x1  }
0xa6: {  	v4 =	vadd.s32 v1, v4;
	_ =	sdelay $0x4  }
0xa7: {  	[hbm4b:s3+s2] =	stream.indirect_vreg.scatter [tilespmem:s12], [sflag:$0x1], $0x80, v4, vm0, $0xb8;
	[tilespmem:$0x10080] =	vst v63  }
0xa8: {  	v3 =	vperm.xlane v3, v2  }
0xa9: {  	[hbm4b:s4+s2] =	stream.indirect_vreg.scatter [tilespmem:s13], [sflag:$0x1], $0x80, v4, vm0, $0xb8;
	[tilespmem:$0x10080] =	vst v63  }
0xaa: {  	v3 =	vadd.s32 v1, v3  }
0xab: {  	[hbm4b:s5+s2] =	stream.indirect_vreg.scatter [tilespmem:s14], [sflag:$0x1], $0x80, v4, vm0, $0xb8;
	[tilespmem:$0x10080] =	vst v63  }
0xac: {  	_ = 	snop  }
0xad: {  	[hbm4b:s6+s2] =	stream.indirect_vreg.scatter [tilespmem:s15], [sflag:$0x1], $0x80, v4, vm0, $0xb8;
	[tilespmem:$0x10080] =	vst v63  }
0xae: {  	_ = 	snop  }
0xaf: {  	[hbm4b:s3+s2] =	stream.indirect_vreg.scatter [tilespmem:s16], [sflag:$0x1], $0x80, v3, vm0, $0xb8;
	[tilespmem:$0x10080] =	vst v63  }
0xb0: {  	_ = 	snop  }
0xb1: {  	[hbm4b:s4+s2] =	stream.indirect_vreg.scatter [tilespmem:s17], [sflag:$0x1], $0x80, v3, vm0, $0xb8;
	[tilespmem:$0x10080] =	vst v63  }
0xb2: {  	_ = 	snop  }
0xb3: {  	[hbm4b:s5+s2] =	stream.indirect_vreg.scatter [tilespmem:s8], [sflag:$0x1], $0x80, v3, vm0, $0xb8;
	[tilespmem:$0x10080] =	vst v63  }
0xb4: {  	s19 =	simm.s32 $0xB880  }
0xb5: {  	[hbm4b:s6+s2] =	stream.indirect_vreg.scatter [tilespmem:s19], [sflag:$0x1], $0x80, v3, vm0, $0xb8;
	[tilespmem:$0x10080] =	vst v63  }
0xb6: {  	v3 =	vld [tilespmem:$0x30];
	_ =	sdelay $0x4  }
0xb7: {  	v63 =	vshll.u32 v3, $0x3  }
0xb8: {  	v3 =	vand.u32 $0x7, v3;
	v4 =	vand.u32 $0xFFFFFFC0, v63  }
0xb9: {  	v3 =	vor.u32 v3, v4  }
0xba: {  	v4 =	vperm.xlane v3, v0;
	_ =	sdelay $0x1  }
0xbb: {  	v4 =	vadd.s32 v1, v4;
	_ =	sdelay $0x3  }
0xbc: {  	s8 =	simm.s32 $0xC080  }
0xbd: {  	[hbm4b:s3+s2] =	stream.indirect_vreg.scatter [tilespmem:s8], [sflag:$0x1], $0x80, v4, vm0, $0xb8;
	[tilespmem:$0x10080] =	vst v63  }
0xbe: {  	s19 =	simm.s32 $0xC880;
	v3 =	vperm.xlane v3, v2  }
0xbf: {  	[hbm4b:s4+s2] =	stream.indirect_vreg.scatter [tilespmem:s19], [sflag:$0x1], $0x80, v4, vm0, $0xb8;
	[tilespmem:$0x10080] =	vst v63  }
0xc0: {  	v3 =	vadd.s32 v1, v3;
	s8 =	simm.s32 $0xD080  }
0xc1: {  	[hbm4b:s5+s2] =	stream.indirect_vreg.scatter [tilespmem:s8], [sflag:$0x1], $0x80, v4, vm0, $0xb8;
	[tilespmem:$0x10080] =	vst v63  }
0xc2: {  	s19 =	simm.s32 $0xD880  }
0xc3: {  	[hbm4b:s6+s2] =	stream.indirect_vreg.scatter [tilespmem:s19], [sflag:$0x1], $0x80, v4, vm0, $0xb8;
	[tilespmem:$0x10080] =	vst v63  }
0xc4: {  	s8 =	simm.s32 $0xE080  }
0xc5: {  	[hbm4b:s3+s2] =	stream.indirect_vreg.scatter [tilespmem:s8], [sflag:$0x1], $0x80, v3, vm0, $0xb8;
	[tilespmem:$0x10080] =	vst v63  }
0xc6: {  	s19 =	simm.s32 $0xE880  }
0xc7: {  	[hbm4b:s4+s2] =	stream.indirect_vreg.scatter [tilespmem:s19], [sflag:$0x1], $0x80, v3, vm0, $0xb8;
	[tilespmem:$0x10080] =	vst v63  }
0xc8: {  	p0 =	sne.s32 s7, $0x1;
	s8 =	simm.s32 $0xF080  }
0xc9: {  	[hbm4b:s5+s2] =	stream.indirect_vreg.scatter [tilespmem:s8], [sflag:$0x1], $0x80, v3, vm0, $0xb8;
	[tilespmem:$0x10080] =	vst v63  }
.Ltmp0:
0xca: {  	s19 =	simm.s32 $0xF880;
	(pc) =	sbr.rel @p0 .LBB2_1-.Ltmp0, $4  }
0xcb: {  	[hbm4b:s6+s2] =	stream.indirect_vreg.scatter [tilespmem:s19], [sflag:$0x1], $0x80, v3, vm0, $0xb8;
	[tilespmem:$0x10080] =	vst v63  }
0xcc: {  	_ =	swait.ge [sflag:s18], $0x10000  }
0xcd: {  	[sflag:s18] =	ssyncset.done $0x0  }
0xce: {  	s7 =	sadd.s32 $0xFFFFFFFF, s7;
	[sflag:s18] =	ssyncadd.s32 $0xFFFF0000  }
0xcf: {  	_ =	sfence.sel $0x180000  }
0xd0: {  	[bflag:$0x0] =	sbarrier.arrive $0xFFFF  }
0xd1: {  	_ =	strace $0x90000047  }
0xd2: {  	s0 =	stileid.u32;
	[bflag:$0x2] =	sbarrier.arrive $0xFFFF  }
0xd3: {  	p0 =	sne.s32 s0, $0x0;
	s0 =	rddreg [dreg:$0x2]  }
0xd4: {  	s0 =	sadd.s32 @!p0 $0x100000, s0  }
0xd5: {  	[sflag:s0] =	ssyncadd.tile.s32 @!p0 $0x1;
	_ =	shalt  }
.Lfunc_end2:
_tile_overlayer_lowered:
.L_overlay_start_2:
0xd6: {  	(tag) =	ssettag $0x2  }
0xd7: {  	s0 =	rddreg [dreg:$0x0];
	s2 =	stileid.u32  }
0xd8: {  	s1 =	rddreg [dreg:$0x1];
	p0 =	sne.s32 s2, $0x0  }
0xd9: {  	s3 =	rddreg [dreg:$0x2];
	[bflag:$0x3] =	sbarrier.arrive $0xFFFF;
	s2 =	simm.s32 @!p0 $0x1C02  }
0xda: {  	[timem:s3], [sflag:s2] =	dma.local @!p0 [hbm:s0], s1  }
0xdb: {  	s0 =	simm.s32 @!p0 $0x2  }
0xdc: {  	_ =	swait.ge @!p0 [sflag:s0], s1  }
0xdd: {  	s1 =	ssub.s32 @!p0 $0x0, s1;
	[sflag:s0] =	ssyncset.done @!p0 $0x0  }
0xde: {  	[sflag:s0] =	ssyncadd.s32 @!p0 s1  }
0xdf: {  	[bflag:$0x3] =	sbarrier.arrive $0xFFFF  }
0xe0: {  	_ =	shalt  }

</sc_bundles>
